<compile_context>
chip_gen: v7x
topology: tpu7x:2x2x1
jax: 0.10.2.dev20260603
libtpu: 0.0.44.dev20260713+nightly
codegen_flags: <defaults>
</compile_context>

<pallas_src>
import functools

import jax
import jax.numpy as jnp
from jax import lax
from jax.experimental import pallas as pl
from jax.experimental.pallas import tpu as pltpu
from jax.experimental.pallas import tpu_sc as plsc

B = 16384
H = 128
_NSLICE = 2
_SB = B // _NSLICE

_INFO = plsc.get_sparse_core_info()
_NC, _NS = _INFO.num_cores, _INFO.num_subcores
_NW = _NC * _NS
_BPW = _SB // _NW
_CHUNK = 128
_NCHUNK = _BPW // _CHUNK
_NT = 3 * _NCHUNK
_NBUF = min(_NT, 6)
_AHEAD = _NBUF


def _sc_gather(proc_table, meas_table, drug_table, proc, meas, drug, slice_id):
    mesh = plsc.VectorSubcoreMesh(core_axis_name="c", subcore_axis_name="s")

    @functools.partial(
        pl.kernel,
        mesh=mesh,
        out_type=[jax.ShapeDtypeStruct((_SB, H), jnp.float32)] * 3,
        scratch_types=[
            pltpu.VMEM((3, _NCHUNK, _CHUNK), jnp.int32),
            pltpu.VMEM((_NBUF, _CHUNK, H), jnp.float32),
        ]
        + [pltpu.SemaphoreType.DMA] * (3 + 2 * _NBUF),
    )
    def k(pt, mt, dt, pi, mi, di, o0, o1, o2, idx_v, rows_v, *sems):
        isem = sems[0:3]
        gsem = sems[3:3 + _NBUF]
        wsem = sems[3 + _NBUF:3 + 2 * _NBUF]
        wid = lax.axis_index("s") * _NC + lax.axis_index("c")
        base = wid * _BPW
        irow = slice_id * (_SB // _CHUNK) + wid * _NCHUNK
        tabs = (pt, mt, dt)
        irefs = (pi, mi, di)
        orefs = (o0, o1, o2)

        icp = [
            pltpu.async_copy(
                irefs[t].at[pl.ds(irow, _NCHUNK)], idx_v.at[t], isem[t]
            )
            for t in range(3)
        ]
        idx_ready = [False, False, False]
        gcp = [None] * _NT
        wcp = [None] * _NT

        def fire(c):
            t, j = divmod(c, _NCHUNK)
            if not idx_ready[t]:
                icp[t].wait()
                idx_ready[t] = True
            if c >= _NBUF:
                wcp[c - _NBUF].wait()
            b = c % _NBUF
            gcp[c] = pltpu.async_copy(
                tabs[t].at[idx_v.at[t].at[j]], rows_v.at[b], gsem[b]
            )

        for c in range(min(_AHEAD, _NT)):
            fire(c)
        for c in range(_NT):
            t, j = divmod(c, _NCHUNK)
            gcp[c].wait()
            wcp[c] = pltpu.async_copy(
                rows_v.at[c % _NBUF],
                orefs[t].at[pl.ds(base + j * _CHUNK, _CHUNK)],
                wsem[c % _NBUF],
            )
            if c + _AHEAD < _NT:
                fire(c + _AHEAD)
        for c in range(max(0, _NT - _NBUF), _NT):
            wcp[c].wait()

    return k(proc_table, meas_table, drug_table, proc, meas, drug)


_BM = 2048


def _mlp_body(hp_ref, hm_ref, hd_ref, fw_ref, fb_ref, hw_ref, hb_ref, o_ref):
    acc = jnp.dot(hp_ref[...], fw_ref[0:H, :], preferred_element_type=jnp.float32)
    acc += jnp.dot(hm_ref[...], fw_ref[H:2 * H, :], preferred_element_type=jnp.float32)
    acc += jnp.dot(hd_ref[...], fw_ref[2 * H:3 * H, :], preferred_element_type=jnp.float32)
    h = jnp.maximum(acc + fb_ref[...], 0.0)
    ot = lax.dot_general(hw_ref[...], h, (((0,), (1,)), ((), ())),
                         preferred_element_type=jnp.float32)
    o_ref[...] = ot + hb_ref[...][:, None]


def _tc_mlp(hp, hm, hd, fuse_W, fuse_b, head_W, head_b):
    grid = (_SB // _BM,)
    return pl.pallas_call(
        _mlp_body,
        grid=grid,
        in_specs=[
            pl.BlockSpec((_BM, H), lambda i: (i, 0)),
            pl.BlockSpec((_BM, H), lambda i: (i, 0)),
            pl.BlockSpec((_BM, H), lambda i: (i, 0)),
            pl.BlockSpec((3 * H, H), lambda i: (0, 0)),
            pl.BlockSpec((H,), lambda i: (0,)),
            pl.BlockSpec((H, 4), lambda i: (0, 0)),
            pl.BlockSpec((4,), lambda i: (0,)),
        ],
        out_specs=pl.BlockSpec((4, _BM), lambda i: (0, i)),
        out_shape=jax.ShapeDtypeStruct((4, _SB), jnp.float32),
    )(hp, hm, hd, fuse_W, fuse_b, head_W, head_b)


def kernel(proc, meas, drug, proc_table, meas_table, drug_table,
           fuse_W, fuse_b, head_W, head_b):
    proc = proc.astype(jnp.int32).reshape(B // _CHUNK, _CHUNK)
    meas = meas.astype(jnp.int32).reshape(B // _CHUNK, _CHUNK)
    drug = drug.astype(jnp.int32).reshape(B // _CHUNK, _CHUNK)
    outs = []
    for s in range(_NSLICE):
        hp, hm, hd = _sc_gather(proc_table, meas_table, drug_table,
                                proc, meas, drug, s)
        outs.append(_tc_mlp(hp, hm, hd, fuse_W, fuse_b, head_W, head_b))
    out_t = outs[0] if _NSLICE == 1 else jnp.concatenate(outs, axis=1)
    return out_t.T

# --- scband reference (transcript-rebuilt; emitter-appended) ---
"""Pipeline reference for scband-combined-model-50775103373981 (READ-ONLY COPY).

The authoritative reference and input builder live on the scoring server;
editing this copy changes nothing except your own understanding.
"""

import jax, jax.numpy as jnp
import numpy as np

B = 16384
H = 128
V_PROC = 100000
V_MEAS = 100000
V_DRUG = 100000


def setup_inputs(seed: int = 0) -> dict:
    key = jax.random.key(seed)
    ks = jax.random.split(key, 10)
    proc = jax.random.randint(ks[0], (B,), 0, V_PROC, dtype=jnp.int64 if jax.config.jax_enable_x64 else jnp.int32)
    meas = jax.random.randint(ks[1], (B,), 0, V_MEAS, dtype=jnp.int64 if jax.config.jax_enable_x64 else jnp.int32)
    drug = jax.random.randint(ks[2], (B,), 0, V_DRUG, dtype=jnp.int64 if jax.config.jax_enable_x64 else jnp.int32)
    proc_table = jax.random.normal(ks[3], (V_PROC, H), dtype=jnp.float32) * 0.02
    meas_table = jax.random.normal(ks[4], (V_MEAS, H), dtype=jnp.float32) * 0.02
    drug_table = jax.random.normal(ks[5], (V_DRUG, H), dtype=jnp.float32) * 0.02
    fuse_W = jax.random.normal(ks[6], (3 * H, H), dtype=jnp.float32) * (1.0 / np.sqrt(3 * H))
    fuse_b = jnp.zeros((H,), dtype=jnp.float32)
    head_W = jax.random.normal(ks[7], (H, 4), dtype=jnp.float32) * (1.0 / np.sqrt(H))
    head_b = jnp.zeros((4,), dtype=jnp.float32)
    return {
        "proc": proc, "meas": meas, "drug": drug,
        "proc_table": proc_table, "meas_table": meas_table, "drug_table": drug_table,
        "fuse_W": fuse_W, "fuse_b": fuse_b,
        "head_W": head_W, "head_b": head_b,
    }


def reference(proc, meas, drug, proc_table, meas_table, drug_table, fuse_W, fuse_b, head_W, head_b):
    # Embedding lookups (gather)
    h_proc = jnp.take(proc_table, proc, axis=0)
    h_meas = jnp.take(meas_table, meas, axis=0)
    h_drug = jnp.take(drug_table, drug, axis=0)
    h = jnp.concatenate([h_proc, h_meas, h_drug], axis=1)
    h = jax.nn.relu(h @ fuse_W + fuse_b)
    # Dropout is identity at inference. Four 1-dim heads stacked -> [B, 4]
    # columns: pe, mort1m, read1m, ph12m
    out = h @ head_W + head_b
    return out

if __name__ == "__main__":
    import jax
    _d = setup_inputs()
    print(jax.jit(kernel)(*tuple(_d.values())))

</pallas_src>

<mosaic_0001>
#map = affine_map<(d0, d1) -> (0, 0)>
module attributes {stable_mosaic.version = 14 : i64} {
  func.func @k(%arg0: i32, %arg1: i32, %arg2: memref<100000x128xf32, #tpu.memory_space<hbm>>, %arg3: memref<100000x128xf32, #tpu.memory_space<hbm>>, %arg4: memref<100000x128xf32, #tpu.memory_space<hbm>>, %arg5: memref<128x128xi32, #tpu.memory_space<hbm>>, %arg6: memref<128x128xi32, #tpu.memory_space<hbm>>, %arg7: memref<128x128xi32, #tpu.memory_space<hbm>>, %arg8: memref<8192x128xf32, #tpu.memory_space<hbm>>, %arg9: memref<8192x128xf32, #tpu.memory_space<hbm>>, %arg10: memref<8192x128xf32, #tpu.memory_space<hbm>>, %arg11: memref<3x2x128xi32, #tpu.memory_space<vmem>>, %arg12: memref<6x128x128xf32, #tpu.memory_space<vmem>>, %arg13: memref<!tpu.dma_semaphore, #tpu.memory_space<semaphore_mem>>, %arg14: memref<!tpu.dma_semaphore, #tpu.memory_space<semaphore_mem>>, %arg15: memref<!tpu.dma_semaphore, #tpu.memory_space<semaphore_mem>>, %arg16: memref<!tpu.dma_semaphore, #tpu.memory_space<semaphore_mem>>, %arg17: memref<!tpu.dma_semaphore, #tpu.memory_space<semaphore_mem>>, %arg18: memref<!tpu.dma_semaphore, #tpu.memory_space<semaphore_mem>>, %arg19: memref<!tpu.dma_semaphore, #tpu.memory_space<semaphore_mem>>, %arg20: memref<!tpu.dma_semaphore, #tpu.memory_space<semaphore_mem>>, %arg21: memref<!tpu.dma_semaphore, #tpu.memory_space<semaphore_mem>>, %arg22: memref<!tpu.dma_semaphore, #tpu.memory_space<semaphore_mem>>, %arg23: memref<!tpu.dma_semaphore, #tpu.memory_space<semaphore_mem>>, %arg24: memref<!tpu.dma_semaphore, #tpu.memory_space<semaphore_mem>>, %arg25: memref<!tpu.dma_semaphore, #tpu.memory_space<semaphore_mem>>, %arg26: memref<!tpu.dma_semaphore, #tpu.memory_space<semaphore_mem>>, %arg27: memref<!tpu.dma_semaphore, #tpu.memory_space<semaphore_mem>>) attributes {dimension_semantics = [#tpu.dimension_semantics<core_parallel>, #tpu.dimension_semantics<subcore_parallel>], iteration_bounds = array<i64: 2, 16>, scalar_prefetch = 0 : i64, scratch_operands = 17 : i64, tpu.core_type = #tpu.core_type<sc_vector_subcore>, window_params = [{transform_indices = #map}, {transform_indices = #map}, {transform_indices = #map}, {transform_indices = #map}, {transform_indices = #map}, {transform_indices = #map}, {transform_indices = #map}, {transform_indices = #map}, {transform_indices = #map}]} {
    %mul3A = arith.constant 2 : i32
    %mul3A_0 = arith.muli %arg1, %mul3A : i32
    %add3A = arith.addi %mul3A_0, %arg0 : i32
    %mul3A_1 = arith.constant 256 : i32
    %mul3A_2 = arith.muli %add3A, %mul3A_1 : i32
    %mul3A_3 = arith.constant 2 : i32
    %mul3A_4 = arith.muli %add3A, %mul3A_3 : i32
    %add3A_5 = arith.constant 0 : i32
    %add3A_6 = arith.addi %add3A_5, %mul3A_4 : i32
    %dma_start3A = arith.constant 0 : i32
    %dma_start3A_7 = arith.constant 0 : i32
    %dma_start3A_8 = arith.constant 0 : i32
    %dma_start3A_9 = tpu.memref_slice %arg11[%dma_start3A, %dma_start3A_7, %dma_start3A_8] : memref<3x2x128xi32, #tpu.memory_space<vmem>> -> memref<1x2x128xi32, #tpu.memory_space<vmem>>
    %dma_start3A_10 = tpu.memref_squeeze %dma_start3A_9 : memref<1x2x128xi32, #tpu.memory_space<vmem>> -> memref<2x128xi32, #tpu.memory_space<vmem>>
    %dma_start3A_11 = arith.constant 0 : i32
    %dma_start3A_12 = tpu.memref_slice %arg5[%add3A_6, %dma_start3A_11] : memref<128x128xi32, #tpu.memory_space<hbm>> -> memref<2x128xi32, #tpu.memory_space<hbm>>
    %dma_start3A_13 = arith.constant 0 : i32
    %dma_start3A_14 = arith.constant 0 : i32
    %dma_start3A_15 = tpu.memref_slice %arg11[%dma_start3A, %dma_start3A_13, %dma_start3A_14] : memref<3x2x128xi32, #tpu.memory_space<vmem>> -> memref<1x2x128xi32, #tpu.memory_space<vmem>>
    %dma_start3A_16 = tpu.memref_squeeze %dma_start3A_15 : memref<1x2x128xi32, #tpu.memory_space<vmem>> -> memref<2x128xi32, #tpu.memory_space<vmem>>
    %dma_start3A_17 = arith.constant 0 : i32
    %dma_start3A_18 = tpu.memref_slice %arg5[%add3A_6, %dma_start3A_17] : memref<128x128xi32, #tpu.memory_space<hbm>> -> memref<2x128xi32, #tpu.memory_space<hbm>>
    tpu.enqueue_dma source(%dma_start3A_18 : memref<2x128xi32, #tpu.memory_space<hbm>>) target(%dma_start3A_16 : memref<2x128xi32, #tpu.memory_space<vmem>>) target_semaphore(%arg13 : memref<!tpu.dma_semaphore, #tpu.memory_space<semaphore_mem>>)
    %dma_start3A_19 = arith.constant 1 : i32
    %dma_start3A_20 = arith.constant 0 : i32
    %dma_start3A_21 = arith.constant 0 : i32
    %dma_start3A_22 = tpu.memref_slice %arg11[%dma_start3A_19, %dma_start3A_20, %dma_start3A_21] : memref<3x2x128xi32, #tpu.memory_space<vmem>> -> memref<1x2x128xi32, #tpu.memory_space<vmem>>
    %dma_start3A_23 = tpu.memref_squeeze %dma_start3A_22 : memref<1x2x128xi32, #tpu.memory_space<vmem>> -> memref<2x128xi32, #tpu.memory_space<vmem>>
    %dma_start3A_24 = arith.constant 0 : i32
    %dma_start3A_25 = tpu.memref_slice %arg6[%add3A_6, %dma_start3A_24] : memref<128x128xi32, #tpu.memory_space<hbm>> -> memref<2x128xi32, #tpu.memory_space<hbm>>
    %dma_start3A_26 = arith.constant 0 : i32
    %dma_start3A_27 = arith.constant 0 : i32
    %dma_start3A_28 = tpu.memref_slice %arg11[%dma_start3A_19, %dma_start3A_26, %dma_start3A_27] : memref<3x2x128xi32, #tpu.memory_space<vmem>> -> memref<1x2x128xi32, #tpu.memory_space<vmem>>
    %dma_start3A_29 = tpu.memref_squeeze %dma_start3A_28 : memref<1x2x128xi32, #tpu.memory_space<vmem>> -> memref<2x128xi32, #tpu.memory_space<vmem>>
    %dma_start3A_30 = arith.constant 0 : i32
    %dma_start3A_31 = tpu.memref_slice %arg6[%add3A_6, %dma_start3A_30] : memref<128x128xi32, #tpu.memory_space<hbm>> -> memref<2x128xi32, #tpu.memory_space<hbm>>
    tpu.enqueue_dma source(%dma_start3A_31 : memref<2x128xi32, #tpu.memory_space<hbm>>) target(%dma_start3A_29 : memref<2x128xi32, #tpu.memory_space<vmem>>) target_semaphore(%arg14 : memref<!tpu.dma_semaphore, #tpu.memory_space<semaphore_mem>>)
    %dma_start3A_32 = arith.constant 2 : i32
    %dma_start3A_33 = arith.constant 0 : i32
    %dma_start3A_34 = arith.constant 0 : i32
    %dma_start3A_35 = tpu.memref_slice %arg11[%dma_start3A_32, %dma_start3A_33, %dma_start3A_34] : memref<3x2x128xi32, #tpu.memory_space<vmem>> -> memref<1x2x128xi32, #tpu.memory_space<vmem>>
    %dma_start3A_36 = tpu.memref_squeeze %dma_start3A_35 : memref<1x2x128xi32, #tpu.memory_space<vmem>> -> memref<2x128xi32, #tpu.memory_space<vmem>>
    %dma_start3A_37 = arith.constant 0 : i32
    %dma_start3A_38 = tpu.memref_slice %arg7[%add3A_6, %dma_start3A_37] : memref<128x128xi32, #tpu.memory_space<hbm>> -> memref<2x128xi32, #tpu.memory_space<hbm>>
    %dma_start3A_39 = arith.constant 0 : i32
    %dma_start3A_40 = arith.constant 0 : i32
    %dma_start3A_41 = tpu.memref_slice %arg11[%dma_start3A_32, %dma_start3A_39, %dma_start3A_40] : memref<3x2x128xi32, #tpu.memory_space<vmem>> -> memref<1x2x128xi32, #tpu.memory_space<vmem>>
    %dma_start3A_42 = tpu.memref_squeeze %dma_start3A_41 : memref<1x2x128xi32, #tpu.memory_space<vmem>> -> memref<2x128xi32, #tpu.memory_space<vmem>>
    %dma_start3A_43 = arith.constant 0 : i32
    %dma_start3A_44 = tpu.memref_slice %arg7[%add3A_6, %dma_start3A_43] : memref<128x128xi32, #tpu.memory_space<hbm>> -> memref<2x128xi32, #tpu.memory_space<hbm>>
    tpu.enqueue_dma source(%dma_start3A_44 : memref<2x128xi32, #tpu.memory_space<hbm>>) target(%dma_start3A_42 : memref<2x128xi32, #tpu.memory_space<vmem>>) target_semaphore(%arg15 : memref<!tpu.dma_semaphore, #tpu.memory_space<semaphore_mem>>)
    %dma_wait3A = arith.constant 0 : i32
    %dma_wait3A_45 = arith.constant 0 : i32
    %dma_wait3A_46 = arith.constant 0 : i32
    %dma_wait3A_47 = tpu.memref_slice %arg11[%dma_wait3A, %dma_wait3A_45, %dma_wait3A_46] : memref<3x2x128xi32, #tpu.memory_space<vmem>> -> memref<1x2x128xi32, #tpu.memory_space<vmem>>
    %dma_wait3A_48 = tpu.memref_squeeze %dma_wait3A_47 : memref<1x2x128xi32, #tpu.memory_space<vmem>> -> memref<2x128xi32, #tpu.memory_space<vmem>>
    %dma_wait3A_49 = arith.constant 0 : i32
    %dma_wait3A_50 = tpu.memref_slice %arg5[%add3A_6, %dma_wait3A_49] : memref<128x128xi32, #tpu.memory_space<hbm>> -> memref<2x128xi32, #tpu.memory_space<hbm>>
    %dma_wait3A_51 = arith.constant 0 : i32
    %dma_wait3A_52 = arith.constant 0 : i32
    %dma_wait3A_53 = tpu.memref_slice %arg11[%dma_wait3A, %dma_wait3A_51, %dma_wait3A_52] : memref<3x2x128xi32, #tpu.memory_space<vmem>> -> memref<1x2x128xi32, #tpu.memory_space<vmem>>
    %dma_wait3A_54 = tpu.memref_squeeze %dma_wait3A_53 : memref<1x2x128xi32, #tpu.memory_space<vmem>> -> memref<2x128xi32, #tpu.memory_space<vmem>>
    %dma_wait3A_55 = arith.constant 0 : i32
    %dma_wait3A_56 = tpu.memref_slice %arg5[%add3A_6, %dma_wait3A_55] : memref<128x128xi32, #tpu.memory_space<hbm>> -> memref<2x128xi32, #tpu.memory_space<hbm>>
    tpu.wait_dma2 semaphore(%arg13 : memref<!tpu.dma_semaphore, #tpu.memory_space<semaphore_mem>>) src(%dma_wait3A_56 : memref<2x128xi32, #tpu.memory_space<hbm>>) dst(%dma_wait3A_54 : memref<2x128xi32, #tpu.memory_space<vmem>>)
    %dma_start3A_57 = arith.constant 0 : i32
    %dma_start3A_58 = arith.constant 0 : i32
    %dma_start3A_59 = arith.constant 0 : i32
    %dma_start3A_60 = arith.constant 0 : i32
    %dma_start3A_61 = arith.constant 0 : i32
    %dma_start3A_62 = tpu.memref_slice %arg12[%dma_start3A_59, %dma_start3A_60, %dma_start3A_61] : memref<6x128x128xf32, #tpu.memory_space<vmem>> -> memref<1x128x128xf32, #tpu.memory_space<vmem>>
    %dma_start3A_63 = tpu.memref_squeeze %dma_start3A_62 : memref<1x128x128xf32, #tpu.memory_space<vmem>> -> memref<128x128xf32, #tpu.memory_space<vmem>>
    %dma_start3A_64 = arith.constant 0 : i32
    %dma_start3A_65 = arith.constant 0 : i32
    %dma_start3A_66 = tpu.memref_slice %arg11[%dma_start3A_57, %dma_start3A_64, %dma_start3A_65] : memref<3x2x128xi32, #tpu.memory_space<vmem>> -> memref<1x2x128xi32, #tpu.memory_space<vmem>>
    %dma_start3A_67 = tpu.memref_squeeze %dma_start3A_66 : memref<1x2x128xi32, #tpu.memory_space<vmem>> -> memref<2x128xi32, #tpu.memory_space<vmem>>
    %dma_start3A_68 = arith.constant 0 : i32
    %dma_start3A_69 = tpu.memref_slice %dma_start3A_67[%dma_start3A_58, %dma_start3A_68] : memref<2x128xi32, #tpu.memory_space<vmem>> -> memref<1x128xi32, #tpu.memory_space<vmem>>
    %dma_start3A_70 = tpu.memref_squeeze %dma_start3A_69 : memref<1x128xi32, #tpu.memory_space<vmem>> -> memref<128xi32, #tpu.memory_space<vmem>>
    %dma_start3A_71 = arith.constant 0 : i32
    %dma_start3A_72 = arith.constant 0 : i32
    %dma_start3A_73 = tpu.memref_slice %arg2[%dma_start3A_71, %dma_start3A_72] : memref<100000x128xf32, #tpu.memory_space<hbm>> -> memref<100000x128xf32, #tpu.memory_space<hbm>>
    tpu.enqueue_indirect_dma source(%dma_start3A_73 : memref<100000x128xf32, #tpu.memory_space<hbm>>) target(%dma_start3A_63 : memref<128x128xf32, #tpu.memory_space<vmem>>) offsets(%dma_start3A_70 : memref<128xi32, #tpu.memory_space<vmem>>) semaphore(%arg16 : memref<!tpu.dma_semaphore, #tpu.memory_space<semaphore_mem>>)
    %dma_start3A_74 = arith.constant 0 : i32
    %dma_start3A_75 = arith.constant 1 : i32
    %dma_start3A_76 = arith.constant 1 : i32
    %dma_start3A_77 = arith.constant 0 : i32
    %dma_start3A_78 = arith.constant 0 : i32
    %dma_start3A_79 = tpu.memref_slice %arg12[%dma_start3A_76, %dma_start3A_77, %dma_start3A_78] : memref<6x128x128xf32, #tpu.memory_space<vmem>> -> memref<1x128x128xf32, #tpu.memory_space<vmem>>
    %dma_start3A_80 = tpu.memref_squeeze %dma_start3A_79 : memref<1x128x128xf32, #tpu.memory_space<vmem>> -> memref<128x128xf32, #tpu.memory_space<vmem>>
    %dma_start3A_81 = arith.constant 0 : i32
    %dma_start3A_82 = arith.constant 0 : i32
    %dma_start3A_83 = tpu.memref_slice %arg11[%dma_start3A_74, %dma_start3A_81, %dma_start3A_82] : memref<3x2x128xi32, #tpu.memory_space<vmem>> -> memref<1x2x128xi32, #tpu.memory_space<vmem>>
    %dma_start3A_84 = tpu.memref_squeeze %dma_start3A_83 : memref<1x2x128xi32, #tpu.memory_space<vmem>> -> memref<2x128xi32, #tpu.memory_space<vmem>>
    %dma_start3A_85 = arith.constant 0 : i32
    %dma_start3A_86 = tpu.memref_slice %dma_start3A_84[%dma_start3A_75, %dma_start3A_85] : memref<2x128xi32, #tpu.memory_space<vmem>> -> memref<1x128xi32, #tpu.memory_space<vmem>>
    %dma_start3A_87 = tpu.memref_squeeze %dma_start3A_86 : memref<1x128xi32, #tpu.memory_space<vmem>> -> memref<128xi32, #tpu.memory_space<vmem>>
    %dma_start3A_88 = arith.constant 0 : i32
    %dma_start3A_89 = arith.constant 0 : i32
    %dma_start3A_90 = tpu.memref_slice %arg2[%dma_start3A_88, %dma_start3A_89] : memref<100000x128xf32, #tpu.memory_space<hbm>> -> memref<100000x128xf32, #tpu.memory_space<hbm>>
    tpu.enqueue_indirect_dma source(%dma_start3A_90 : memref<100000x128xf32, #tpu.memory_space<hbm>>) target(%dma_start3A_80 : memref<128x128xf32, #tpu.memory_space<vmem>>) offsets(%dma_start3A_87 : memref<128xi32, #tpu.memory_space<vmem>>) semaphore(%arg17 : memref<!tpu.dma_semaphore, #tpu.memory_space<semaphore_mem>>)
    %dma_wait3A_91 = arith.constant 1 : i32
    %dma_wait3A_92 = arith.constant 0 : i32
    %dma_wait3A_93 = arith.constant 0 : i32
    %dma_wait3A_94 = tpu.memref_slice %arg11[%dma_wait3A_91, %dma_wait3A_92, %dma_wait3A_93] : memref<3x2x128xi32, #tpu.memory_space<vmem>> -> memref<1x2x128xi32, #tpu.memory_space<vmem>>
    %dma_wait3A_95 = tpu.memref_squeeze %dma_wait3A_94 : memref<1x2x128xi32, #tpu.memory_space<vmem>> -> memref<2x128xi32, #tpu.memory_space<vmem>>
    %dma_wait3A_96 = arith.constant 0 : i32
    %dma_wait3A_97 = tpu.memref_slice %arg6[%add3A_6, %dma_wait3A_96] : memref<128x128xi32, #tpu.memory_space<hbm>> -> memref<2x128xi32, #tpu.memory_space<hbm>>
    %dma_wait3A_98 = arith.constant 0 : i32
    %dma_wait3A_99 = arith.constant 0 : i32
    %dma_wait3A_100 = tpu.memref_slice %arg11[%dma_wait3A_91, %dma_wait3A_98, %dma_wait3A_99] : memref<3x2x128xi32, #tpu.memory_space<vmem>> -> memref<1x2x128xi32, #tpu.memory_space<vmem>>
    %dma_wait3A_101 = tpu.memref_squeeze %dma_wait3A_100 : memref<1x2x128xi32, #tpu.memory_space<vmem>> -> memref<2x128xi32, #tpu.memory_space<vmem>>
    %dma_wait3A_102 = arith.constant 0 : i32
    %dma_wait3A_103 = tpu.memref_slice %arg6[%add3A_6, %dma_wait3A_102] : memref<128x128xi32, #tpu.memory_space<hbm>> -> memref<2x128xi32, #tpu.memory_space<hbm>>
    tpu.wait_dma2 semaphore(%arg14 : memref<!tpu.dma_semaphore, #tpu.memory_space<semaphore_mem>>) src(%dma_wait3A_103 : memref<2x128xi32, #tpu.memory_space<hbm>>) dst(%dma_wait3A_101 : memref<2x128xi32, #tpu.memory_space<vmem>>)
    %dma_start3A_104 = arith.constant 1 : i32
    %dma_start3A_105 = arith.constant 0 : i32
    %dma_start3A_106 = arith.constant 2 : i32
    %dma_start3A_107 = arith.constant 0 : i32
    %dma_start3A_108 = arith.constant 0 : i32
    %dma_start3A_109 = tpu.memref_slice %arg12[%dma_start3A_106, %dma_start3A_107, %dma_start3A_108] : memref<6x128x128xf32, #tpu.memory_space<vmem>> -> memref<1x128x128xf32, #tpu.memory_space<vmem>>
    %dma_start3A_110 = tpu.memref_squeeze %dma_start3A_109 : memref<1x128x128xf32, #tpu.memory_space<vmem>> -> memref<128x128xf32, #tpu.memory_space<vmem>>
    %dma_start3A_111 = arith.constant 0 : i32
    %dma_start3A_112 = arith.constant 0 : i32
    %dma_start3A_113 = tpu.memref_slice %arg11[%dma_start3A_104, %dma_start3A_111, %dma_start3A_112] : memref<3x2x128xi32, #tpu.memory_space<vmem>> -> memref<1x2x128xi32, #tpu.memory_space<vmem>>
    %dma_start3A_114 = tpu.memref_squeeze %dma_start3A_113 : memref<1x2x128xi32, #tpu.memory_space<vmem>> -> memref<2x128xi32, #tpu.memory_space<vmem>>
    %dma_start3A_115 = arith.constant 0 : i32
    %dma_start3A_116 = tpu.memref_slice %dma_start3A_114[%dma_start3A_105, %dma_start3A_115] : memref<2x128xi32, #tpu.memory_space<vmem>> -> memref<1x128xi32, #tpu.memory_space<vmem>>
    %dma_start3A_117 = tpu.memref_squeeze %dma_start3A_116 : memref<1x128xi32, #tpu.memory_space<vmem>> -> memref<128xi32, #tpu.memory_space<vmem>>
    %dma_start3A_118 = arith.constant 0 : i32
    %dma_start3A_119 = arith.constant 0 : i32
    %dma_start3A_120 = tpu.memref_slice %arg3[%dma_start3A_118, %dma_start3A_119] : memref<100000x128xf32, #tpu.memory_space<hbm>> -> memref<100000x128xf32, #tpu.memory_space<hbm>>
    tpu.enqueue_indirect_dma source(%dma_start3A_120 : memref<100000x128xf32, #tpu.memory_space<hbm>>) target(%dma_start3A_110 : memref<128x128xf32, #tpu.memory_space<vmem>>) offsets(%dma_start3A_117 : memref<128xi32, #tpu.memory_space<vmem>>) semaphore(%arg18 : memref<!tpu.dma_semaphore, #tpu.memory_space<semaphore_mem>>)
    %dma_start3A_121 = arith.constant 1 : i32
    %dma_start3A_122 = arith.constant 1 : i32
    %dma_start3A_123 = arith.constant 3 : i32
    %dma_start3A_124 = arith.constant 0 : i32
    %dma_start3A_125 = arith.constant 0 : i32
    %dma_start3A_126 = tpu.memref_slice %arg12[%dma_start3A_123, %dma_start3A_124, %dma_start3A_125] : memref<6x128x128xf32, #tpu.memory_space<vmem>> -> memref<1x128x128xf32, #tpu.memory_space<vmem>>
    %dma_start3A_127 = tpu.memref_squeeze %dma_start3A_126 : memref<1x128x128xf32, #tpu.memory_space<vmem>> -> memref<128x128xf32, #tpu.memory_space<vmem>>
    %dma_start3A_128 = arith.constant 0 : i32
    %dma_start3A_129 = arith.constant 0 : i32
    %dma_start3A_130 = tpu.memref_slice %arg11[%dma_start3A_121, %dma_start3A_128, %dma_start3A_129] : memref<3x2x128xi32, #tpu.memory_space<vmem>> -> memref<1x2x128xi32, #tpu.memory_space<vmem>>
    %dma_start3A_131 = tpu.memref_squeeze %dma_start3A_130 : memref<1x2x128xi32, #tpu.memory_space<vmem>> -> memref<2x128xi32, #tpu.memory_space<vmem>>
    %dma_start3A_132 = arith.constant 0 : i32
    %dma_start3A_133 = tpu.memref_slice %dma_start3A_131[%dma_start3A_122, %dma_start3A_132] : memref<2x128xi32, #tpu.memory_space<vmem>> -> memref<1x128xi32, #tpu.memory_space<vmem>>
    %dma_start3A_134 = tpu.memref_squeeze %dma_start3A_133 : memref<1x128xi32, #tpu.memory_space<vmem>> -> memref<128xi32, #tpu.memory_space<vmem>>
    %dma_start3A_135 = arith.constant 0 : i32
    %dma_start3A_136 = arith.constant 0 : i32
    %dma_start3A_137 = tpu.memref_slice %arg3[%dma_start3A_135, %dma_start3A_136] : memref<100000x128xf32, #tpu.memory_space<hbm>> -> memref<100000x128xf32, #tpu.memory_space<hbm>>
    tpu.enqueue_indirect_dma source(%dma_start3A_137 : memref<100000x128xf32, #tpu.memory_space<hbm>>) target(%dma_start3A_127 : memref<128x128xf32, #tpu.memory_space<vmem>>) offsets(%dma_start3A_134 : memref<128xi32, #tpu.memory_space<vmem>>) semaphore(%arg19 : memref<!tpu.dma_semaphore, #tpu.memory_space<semaphore_mem>>)
    %dma_wait3A_138 = arith.constant 2 : i32
    %dma_wait3A_139 = arith.constant 0 : i32
    %dma_wait3A_140 = arith.constant 0 : i32
    %dma_wait3A_141 = tpu.memref_slice %arg11[%dma_wait3A_138, %dma_wait3A_139, %dma_wait3A_140] : memref<3x2x128xi32, #tpu.memory_space<vmem>> -> memref<1x2x128xi32, #tpu.memory_space<vmem>>
    %dma_wait3A_142 = tpu.memref_squeeze %dma_wait3A_141 : memref<1x2x128xi32, #tpu.memory_space<vmem>> -> memref<2x128xi32, #tpu.memory_space<vmem>>
    %dma_wait3A_143 = arith.constant 0 : i32
    %dma_wait3A_144 = tpu.memref_slice %arg7[%add3A_6, %dma_wait3A_143] : memref<128x128xi32, #tpu.memory_space<hbm>> -> memref<2x128xi32, #tpu.memory_space<hbm>>
    %dma_wait3A_145 = arith.constant 0 : i32
    %dma_wait3A_146 = arith.constant 0 : i32
    %dma_wait3A_147 = tpu.memref_slice %arg11[%dma_wait3A_138, %dma_wait3A_145, %dma_wait3A_146] : memref<3x2x128xi32, #tpu.memory_space<vmem>> -> memref<1x2x128xi32, #tpu.memory_space<vmem>>
    %dma_wait3A_148 = tpu.memref_squeeze %dma_wait3A_147 : memref<1x2x128xi32, #tpu.memory_space<vmem>> -> memref<2x128xi32, #tpu.memory_space<vmem>>
    %dma_wait3A_149 = arith.constant 0 : i32
    %dma_wait3A_150 = tpu.memref_slice %arg7[%add3A_6, %dma_wait3A_149] : memref<128x128xi32, #tpu.memory_space<hbm>> -> memref<2x128xi32, #tpu.memory_space<hbm>>
    tpu.wait_dma2 semaphore(%arg15 : memref<!tpu.dma_semaphore, #tpu.memory_space<semaphore_mem>>) src(%dma_wait3A_150 : memref<2x128xi32, #tpu.memory_space<hbm>>) dst(%dma_wait3A_148 : memref<2x128xi32, #tpu.memory_space<vmem>>)
    %dma_start3A_151 = arith.constant 2 : i32
    %dma_start3A_152 = arith.constant 0 : i32
    %dma_start3A_153 = arith.constant 4 : i32
    %dma_start3A_154 = arith.constant 0 : i32
    %dma_start3A_155 = arith.constant 0 : i32
    %dma_start3A_156 = tpu.memref_slice %arg12[%dma_start3A_153, %dma_start3A_154, %dma_start3A_155] : memref<6x128x128xf32, #tpu.memory_space<vmem>> -> memref<1x128x128xf32, #tpu.memory_space<vmem>>
    %dma_start3A_157 = tpu.memref_squeeze %dma_start3A_156 : memref<1x128x128xf32, #tpu.memory_space<vmem>> -> memref<128x128xf32, #tpu.memory_space<vmem>>
    %dma_start3A_158 = arith.constant 0 : i32
    %dma_start3A_159 = arith.constant 0 : i32
    %dma_start3A_160 = tpu.memref_slice %arg11[%dma_start3A_151, %dma_start3A_158, %dma_start3A_159] : memref<3x2x128xi32, #tpu.memory_space<vmem>> -> memref<1x2x128xi32, #tpu.memory_space<vmem>>
    %dma_start3A_161 = tpu.memref_squeeze %dma_start3A_160 : memref<1x2x128xi32, #tpu.memory_space<vmem>> -> memref<2x128xi32, #tpu.memory_space<vmem>>
    %dma_start3A_162 = arith.constant 0 : i32
    %dma_start3A_163 = tpu.memref_slice %dma_start3A_161[%dma_start3A_152, %dma_start3A_162] : memref<2x128xi32, #tpu.memory_space<vmem>> -> memref<1x128xi32, #tpu.memory_space<vmem>>
    %dma_start3A_164 = tpu.memref_squeeze %dma_start3A_163 : memref<1x128xi32, #tpu.memory_space<vmem>> -> memref<128xi32, #tpu.memory_space<vmem>>
    %dma_start3A_165 = arith.constant 0 : i32
    %dma_start3A_166 = arith.constant 0 : i32
    %dma_start3A_167 = tpu.memref_slice %arg4[%dma_start3A_165, %dma_start3A_166] : memref<100000x128xf32, #tpu.memory_space<hbm>> -> memref<100000x128xf32, #tpu.memory_space<hbm>>
    tpu.enqueue_indirect_dma source(%dma_start3A_167 : memref<100000x128xf32, #tpu.memory_space<hbm>>) target(%dma_start3A_157 : memref<128x128xf32, #tpu.memory_space<vmem>>) offsets(%dma_start3A_164 : memref<128xi32, #tpu.memory_space<vmem>>) semaphore(%arg20 : memref<!tpu.dma_semaphore, #tpu.memory_space<semaphore_mem>>)
    %dma_start3A_168 = arith.constant 2 : i32
    %dma_start3A_169 = arith.constant 1 : i32
    %dma_start3A_170 = arith.constant 5 : i32
    %dma_start3A_171 = arith.constant 0 : i32
    %dma_start3A_172 = arith.constant 0 : i32
    %dma_start3A_173 = tpu.memref_slice %arg12[%dma_start3A_170, %dma_start3A_171, %dma_start3A_172] : memref<6x128x128xf32, #tpu.memory_space<vmem>> -> memref<1x128x128xf32, #tpu.memory_space<vmem>>
    %dma_start3A_174 = tpu.memref_squeeze %dma_start3A_173 : memref<1x128x128xf32, #tpu.memory_space<vmem>> -> memref<128x128xf32, #tpu.memory_space<vmem>>
    %dma_start3A_175 = arith.constant 0 : i32
    %dma_start3A_176 = arith.constant 0 : i32
    %dma_start3A_177 = tpu.memref_slice %arg11[%dma_start3A_168, %dma_start3A_175, %dma_start3A_176] : memref<3x2x128xi32, #tpu.memory_space<vmem>> -> memref<1x2x128xi32, #tpu.memory_space<vmem>>
    %dma_start3A_178 = tpu.memref_squeeze %dma_start3A_177 : memref<1x2x128xi32, #tpu.memory_space<vmem>> -> memref<2x128xi32, #tpu.memory_space<vmem>>
    %dma_start3A_179 = arith.constant 0 : i32
    %dma_start3A_180 = tpu.memref_slice %dma_start3A_178[%dma_start3A_169, %dma_start3A_179] : memref<2x128xi32, #tpu.memory_space<vmem>> -> memref<1x128xi32, #tpu.memory_space<vmem>>
    %dma_start3A_181 = tpu.memref_squeeze %dma_start3A_180 : memref<1x128xi32, #tpu.memory_space<vmem>> -> memref<128xi32, #tpu.memory_space<vmem>>
    %dma_start3A_182 = arith.constant 0 : i32
    %dma_start3A_183 = arith.constant 0 : i32
    %dma_start3A_184 = tpu.memref_slice %arg4[%dma_start3A_182, %dma_start3A_183] : memref<100000x128xf32, #tpu.memory_space<hbm>> -> memref<100000x128xf32, #tpu.memory_space<hbm>>
    tpu.enqueue_indirect_dma source(%dma_start3A_184 : memref<100000x128xf32, #tpu.memory_space<hbm>>) target(%dma_start3A_174 : memref<128x128xf32, #tpu.memory_space<vmem>>) offsets(%dma_start3A_181 : memref<128xi32, #tpu.memory_space<vmem>>) semaphore(%arg21 : memref<!tpu.dma_semaphore, #tpu.memory_space<semaphore_mem>>)
    %dma_wait3A_185 = arith.constant 0 : i32
    %dma_wait3A_186 = arith.constant 0 : i32
    %dma_wait3A_187 = arith.constant 0 : i32
    %dma_wait3A_188 = arith.constant 0 : i32
    %dma_wait3A_189 = arith.constant 0 : i32
    %dma_wait3A_190 = tpu.memref_slice %arg12[%dma_wait3A_187, %dma_wait3A_188, %dma_wait3A_189] : memref<6x128x128xf32, #tpu.memory_space<vmem>> -> memref<1x128x128xf32, #tpu.memory_space<vmem>>
    %dma_wait3A_191 = tpu.memref_squeeze %dma_wait3A_190 : memref<1x128x128xf32, #tpu.memory_space<vmem>> -> memref<128x128xf32, #tpu.memory_space<vmem>>
    %dma_wait3A_192 = arith.constant 0 : i32
    %dma_wait3A_193 = arith.constant 0 : i32
    %dma_wait3A_194 = tpu.memref_slice %arg11[%dma_wait3A_185, %dma_wait3A_192, %dma_wait3A_193] : memref<3x2x128xi32, #tpu.memory_space<vmem>> -> memref<1x2x128xi32, #tpu.memory_space<vmem>>
    %dma_wait3A_195 = tpu.memref_squeeze %dma_wait3A_194 : memref<1x2x128xi32, #tpu.memory_space<vmem>> -> memref<2x128xi32, #tpu.memory_space<vmem>>
    %dma_wait3A_196 = arith.constant 0 : i32
    %dma_wait3A_197 = tpu.memref_slice %dma_wait3A_195[%dma_wait3A_186, %dma_wait3A_196] : memref<2x128xi32, #tpu.memory_space<vmem>> -> memref<1x128xi32, #tpu.memory_space<vmem>>
    %dma_wait3A_198 = tpu.memref_squeeze %dma_wait3A_197 : memref<1x128xi32, #tpu.memory_space<vmem>> -> memref<128xi32, #tpu.memory_space<vmem>>
    %dma_wait3A_199 = arith.constant 0 : i32
    %dma_wait3A_200 = arith.constant 0 : i32
    %dma_wait3A_201 = tpu.memref_slice %arg2[%dma_wait3A_199, %dma_wait3A_200] : memref<100000x128xf32, #tpu.memory_space<hbm>> -> memref<100000x128xf32, #tpu.memory_space<hbm>>
    tpu.wait_indirect_dma semaphore(%arg16 : memref<!tpu.dma_semaphore, #tpu.memory_space<semaphore_mem>>) src(%dma_wait3A_201 : memref<100000x128xf32, #tpu.memory_space<hbm>>) dst(%dma_wait3A_191 : memref<128x128xf32, #tpu.memory_space<vmem>>)
    %add3A_202 = arith.constant 0 : i32
    %add3A_203 = arith.addi %mul3A_2, %add3A_202 : i32
    %dma_start3A_204 = arith.constant 0 : i32
    %dma_start3A_205 = arith.constant 0 : i32
    %dma_start3A_206 = arith.constant 0 : i32
    %dma_start3A_207 = tpu.memref_slice %arg12[%dma_start3A_204, %dma_start3A_205, %dma_start3A_206] : memref<6x128x128xf32, #tpu.memory_space<vmem>> -> memref<1x128x128xf32, #tpu.memory_space<vmem>>
    %dma_start3A_208 = tpu.memref_squeeze %dma_start3A_207 : memref<1x128x128xf32, #tpu.memory_space<vmem>> -> memref<128x128xf32, #tpu.memory_space<vmem>>
    %dma_start3A_209 = arith.constant 0 : i32
    %dma_start3A_210 = tpu.memref_slice %arg8[%add3A_203, %dma_start3A_209] : memref<8192x128xf32, #tpu.memory_space<hbm>> -> memref<128x128xf32, #tpu.memory_space<hbm>>
    %dma_start3A_211 = arith.constant 0 : i32
    %dma_start3A_212 = tpu.memref_slice %arg8[%add3A_203, %dma_start3A_211] : memref<8192x128xf32, #tpu.memory_space<hbm>> -> memref<128x128xf32, #tpu.memory_space<hbm>>
    %dma_start3A_213 = arith.constant 0 : i32
    %dma_start3A_214 = arith.constant 0 : i32
    %dma_start3A_215 = tpu.memref_slice %arg12[%dma_start3A_204, %dma_start3A_213, %dma_start3A_214] : memref<6x128x128xf32, #tpu.memory_space<vmem>> -> memref<1x128x128xf32, #tpu.memory_space<vmem>>
    %dma_start3A_216 = tpu.memref_squeeze %dma_start3A_215 : memref<1x128x128xf32, #tpu.memory_space<vmem>> -> memref<128x128xf32, #tpu.memory_space<vmem>>
    tpu.enqueue_dma source(%dma_start3A_216 : memref<128x128xf32, #tpu.memory_space<vmem>>) target(%dma_start3A_212 : memref<128x128xf32, #tpu.memory_space<hbm>>) target_semaphore(%arg22 : memref<!tpu.dma_semaphore, #tpu.memory_space<semaphore_mem>>)
    %dma_wait3A_217 = arith.constant 0 : i32
    %dma_wait3A_218 = arith.constant 1 : i32
    %dma_wait3A_219 = arith.constant 1 : i32
    %dma_wait3A_220 = arith.constant 0 : i32
    %dma_wait3A_221 = arith.constant 0 : i32
    %dma_wait3A_222 = tpu.memref_slice %arg12[%dma_wait3A_219, %dma_wait3A_220, %dma_wait3A_221] : memref<6x128x128xf32, #tpu.memory_space<vmem>> -> memref<1x128x128xf32, #tpu.memory_space<vmem>>
    %dma_wait3A_223 = tpu.memref_squeeze %dma_wait3A_222 : memref<1x128x128xf32, #tpu.memory_space<vmem>> -> memref<128x128xf32, #tpu.memory_space<vmem>>
    %dma_wait3A_224 = arith.constant 0 : i32
    %dma_wait3A_225 = arith.constant 0 : i32
    %dma_wait3A_226 = tpu.memref_slice %arg11[%dma_wait3A_217, %dma_wait3A_224, %dma_wait3A_225] : memref<3x2x128xi32, #tpu.memory_space<vmem>> -> memref<1x2x128xi32, #tpu.memory_space<vmem>>
    %dma_wait3A_227 = tpu.memref_squeeze %dma_wait3A_226 : memref<1x2x128xi32, #tpu.memory_space<vmem>> -> memref<2x128xi32, #tpu.memory_space<vmem>>
    %dma_wait3A_228 = arith.constant 0 : i32
    %dma_wait3A_229 = tpu.memref_slice %dma_wait3A_227[%dma_wait3A_218, %dma_wait3A_228] : memref<2x128xi32, #tpu.memory_space<vmem>> -> memref<1x128xi32, #tpu.memory_space<vmem>>
    %dma_wait3A_230 = tpu.memref_squeeze %dma_wait3A_229 : memref<1x128xi32, #tpu.memory_space<vmem>> -> memref<128xi32, #tpu.memory_space<vmem>>
    %dma_wait3A_231 = arith.constant 0 : i32
    %dma_wait3A_232 = arith.constant 0 : i32
    %dma_wait3A_233 = tpu.memref_slice %arg2[%dma_wait3A_231, %dma_wait3A_232] : memref<100000x128xf32, #tpu.memory_space<hbm>> -> memref<100000x128xf32, #tpu.memory_space<hbm>>
    tpu.wait_indirect_dma semaphore(%arg17 : memref<!tpu.dma_semaphore, #tpu.memory_space<semaphore_mem>>) src(%dma_wait3A_233 : memref<100000x128xf32, #tpu.memory_space<hbm>>) dst(%dma_wait3A_223 : memref<128x128xf32, #tpu.memory_space<vmem>>)
    %add3A_234 = arith.constant 128 : i32
    %add3A_235 = arith.addi %mul3A_2, %add3A_234 : i32
    %dma_start3A_236 = arith.constant 1 : i32
    %dma_start3A_237 = arith.constant 0 : i32
    %dma_start3A_238 = arith.constant 0 : i32
    %dma_start3A_239 = tpu.memref_slice %arg12[%dma_start3A_236, %dma_start3A_237, %dma_start3A_238] : memref<6x128x128xf32, #tpu.memory_space<vmem>> -> memref<1x128x128xf32, #tpu.memory_space<vmem>>
    %dma_start3A_240 = tpu.memref_squeeze %dma_start3A_239 : memref<1x128x128xf32, #tpu.memory_space<vmem>> -> memref<128x128xf32, #tpu.memory_space<vmem>>
    %dma_start3A_241 = arith.constant 0 : i32
    %dma_start3A_242 = tpu.memref_slice %arg8[%add3A_235, %dma_start3A_241] : memref<8192x128xf32, #tpu.memory_space<hbm>> -> memref<128x128xf32, #tpu.memory_space<hbm>>
    %dma_start3A_243 = arith.constant 0 : i32
    %dma_start3A_244 = tpu.memref_slice %arg8[%add3A_235, %dma_start3A_243] : memref<8192x128xf32, #tpu.memory_space<hbm>> -> memref<128x128xf32, #tpu.memory_space<hbm>>
    %dma_start3A_245 = arith.constant 0 : i32
    %dma_start3A_246 = arith.constant 0 : i32
    %dma_start3A_247 = tpu.memref_slice %arg12[%dma_start3A_236, %dma_start3A_245, %dma_start3A_246] : memref<6x128x128xf32, #tpu.memory_space<vmem>> -> memref<1x128x128xf32, #tpu.memory_space<vmem>>
    %dma_start3A_248 = tpu.memref_squeeze %dma_start3A_247 : memref<1x128x128xf32, #tpu.memory_space<vmem>> -> memref<128x128xf32, #tpu.memory_space<vmem>>
    tpu.enqueue_dma source(%dma_start3A_248 : memref<128x128xf32, #tpu.memory_space<vmem>>) target(%dma_start3A_244 : memref<128x128xf32, #tpu.memory_space<hbm>>) target_semaphore(%arg23 : memref<!tpu.dma_semaphore, #tpu.memory_space<semaphore_mem>>)
    %dma_wait3A_249 = arith.constant 1 : i32
    %dma_wait3A_250 = arith.constant 0 : i32
    %dma_wait3A_251 = arith.constant 2 : i32
    %dma_wait3A_252 = arith.constant 0 : i32
    %dma_wait3A_253 = arith.constant 0 : i32
    %dma_wait3A_254 = tpu.memref_slice %arg12[%dma_wait3A_251, %dma_wait3A_252, %dma_wait3A_253] : memref<6x128x128xf32, #tpu.memory_space<vmem>> -> memref<1x128x128xf32, #tpu.memory_space<vmem>>
    %dma_wait3A_255 = tpu.memref_squeeze %dma_wait3A_254 : memref<1x128x128xf32, #tpu.memory_space<vmem>> -> memref<128x128xf32, #tpu.memory_space<vmem>>
    %dma_wait3A_256 = arith.constant 0 : i32
    %dma_wait3A_257 = arith.constant 0 : i32
    %dma_wait3A_258 = tpu.memref_slice %arg11[%dma_wait3A_249, %dma_wait3A_256, %dma_wait3A_257] : memref<3x2x128xi32, #tpu.memory_space<vmem>> -> memref<1x2x128xi32, #tpu.memory_space<vmem>>
    %dma_wait3A_259 = tpu.memref_squeeze %dma_wait3A_258 : memref<1x2x128xi32, #tpu.memory_space<vmem>> -> memref<2x128xi32, #tpu.memory_space<vmem>>
    %dma_wait3A_260 = arith.constant 0 : i32
    %dma_wait3A_261 = tpu.memref_slice %dma_wait3A_259[%dma_wait3A_250, %dma_wait3A_260] : memref<2x128xi32, #tpu.memory_space<vmem>> -> memref<1x128xi32, #tpu.memory_space<vmem>>
    %dma_wait3A_262 = tpu.memref_squeeze %dma_wait3A_261 : memref<1x128xi32, #tpu.memory_space<vmem>> -> memref<128xi32, #tpu.memory_space<vmem>>
    %dma_wait3A_263 = arith.constant 0 : i32
    %dma_wait3A_264 = arith.constant 0 : i32
    %dma_wait3A_265 = tpu.memref_slice %arg3[%dma_wait3A_263, %dma_wait3A_264] : memref<100000x128xf32, #tpu.memory_space<hbm>> -> memref<100000x128xf32, #tpu.memory_space<hbm>>
    tpu.wait_indirect_dma semaphore(%arg18 : memref<!tpu.dma_semaphore, #tpu.memory_space<semaphore_mem>>) src(%dma_wait3A_265 : memref<100000x128xf32, #tpu.memory_space<hbm>>) dst(%dma_wait3A_255 : memref<128x128xf32, #tpu.memory_space<vmem>>)
    %add3A_266 = arith.constant 0 : i32
    %add3A_267 = arith.addi %mul3A_2, %add3A_266 : i32
    %dma_start3A_268 = arith.constant 2 : i32
    %dma_start3A_269 = arith.constant 0 : i32
    %dma_start3A_270 = arith.constant 0 : i32
    %dma_start3A_271 = tpu.memref_slice %arg12[%dma_start3A_268, %dma_start3A_269, %dma_start3A_270] : memref<6x128x128xf32, #tpu.memory_space<vmem>> -> memref<1x128x128xf32, #tpu.memory_space<vmem>>
    %dma_start3A_272 = tpu.memref_squeeze %dma_start3A_271 : memref<1x128x128xf32, #tpu.memory_space<vmem>> -> memref<128x128xf32, #tpu.memory_space<vmem>>
    %dma_start3A_273 = arith.constant 0 : i32
    %dma_start3A_274 = tpu.memref_slice %arg9[%add3A_267, %dma_start3A_273] : memref<8192x128xf32, #tpu.memory_space<hbm>> -> memref<128x128xf32, #tpu.memory_space<hbm>>
    %dma_start3A_275 = arith.constant 0 : i32
    %dma_start3A_276 = tpu.memref_slice %arg9[%add3A_267, %dma_start3A_275] : memref<8192x128xf32, #tpu.memory_space<hbm>> -> memref<128x128xf32, #tpu.memory_space<hbm>>
    %dma_start3A_277 = arith.constant 0 : i32
    %dma_start3A_278 = arith.constant 0 : i32
    %dma_start3A_279 = tpu.memref_slice %arg12[%dma_start3A_268, %dma_start3A_277, %dma_start3A_278] : memref<6x128x128xf32, #tpu.memory_space<vmem>> -> memref<1x128x128xf32, #tpu.memory_space<vmem>>
    %dma_start3A_280 = tpu.memref_squeeze %dma_start3A_279 : memref<1x128x128xf32, #tpu.memory_space<vmem>> -> memref<128x128xf32, #tpu.memory_space<vmem>>
    tpu.enqueue_dma source(%dma_start3A_280 : memref<128x128xf32, #tpu.memory_space<vmem>>) target(%dma_start3A_276 : memref<128x128xf32, #tpu.memory_space<hbm>>) target_semaphore(%arg24 : memref<!tpu.dma_semaphore, #tpu.memory_space<semaphore_mem>>)
    %dma_wait3A_281 = arith.constant 1 : i32
    %dma_wait3A_282 = arith.constant 1 : i32
    %dma_wait3A_283 = arith.constant 3 : i32
    %dma_wait3A_284 = arith.constant 0 : i32
    %dma_wait3A_285 = arith.constant 0 : i32
    %dma_wait3A_286 = tpu.memref_slice %arg12[%dma_wait3A_283, %dma_wait3A_284, %dma_wait3A_285] : memref<6x128x128xf32, #tpu.memory_space<vmem>> -> memref<1x128x128xf32, #tpu.memory_space<vmem>>
    %dma_wait3A_287 = tpu.memref_squeeze %dma_wait3A_286 : memref<1x128x128xf32, #tpu.memory_space<vmem>> -> memref<128x128xf32, #tpu.memory_space<vmem>>
    %dma_wait3A_288 = arith.constant 0 : i32
    %dma_wait3A_289 = arith.constant 0 : i32
    %dma_wait3A_290 = tpu.memref_slice %arg11[%dma_wait3A_281, %dma_wait3A_288, %dma_wait3A_289] : memref<3x2x128xi32, #tpu.memory_space<vmem>> -> memref<1x2x128xi32, #tpu.memory_space<vmem>>
    %dma_wait3A_291 = tpu.memref_squeeze %dma_wait3A_290 : memref<1x2x128xi32, #tpu.memory_space<vmem>> -> memref<2x128xi32, #tpu.memory_space<vmem>>
    %dma_wait3A_292 = arith.constant 0 : i32
    %dma_wait3A_293 = tpu.memref_slice %dma_wait3A_291[%dma_wait3A_282, %dma_wait3A_292] : memref<2x128xi32, #tpu.memory_space<vmem>> -> memref<1x128xi32, #tpu.memory_space<vmem>>
    %dma_wait3A_294 = tpu.memref_squeeze %dma_wait3A_293 : memref<1x128xi32, #tpu.memory_space<vmem>> -> memref<128xi32, #tpu.memory_space<vmem>>
    %dma_wait3A_295 = arith.constant 0 : i32
    %dma_wait3A_296 = arith.constant 0 : i32
    %dma_wait3A_297 = tpu.memref_slice %arg3[%dma_wait3A_295, %dma_wait3A_296] : memref<100000x128xf32, #tpu.memory_space<hbm>> -> memref<100000x128xf32, #tpu.memory_space<hbm>>
    tpu.wait_indirect_dma semaphore(%arg19 : memref<!tpu.dma_semaphore, #tpu.memory_space<semaphore_mem>>) src(%dma_wait3A_297 : memref<100000x128xf32, #tpu.memory_space<hbm>>) dst(%dma_wait3A_287 : memref<128x128xf32, #tpu.memory_space<vmem>>)
    %add3A_298 = arith.constant 128 : i32
    %add3A_299 = arith.addi %mul3A_2, %add3A_298 : i32
    %dma_start3A_300 = arith.constant 3 : i32
    %dma_start3A_301 = arith.constant 0 : i32
    %dma_start3A_302 = arith.constant 0 : i32
    %dma_start3A_303 = tpu.memref_slice %arg12[%dma_start3A_300, %dma_start3A_301, %dma_start3A_302] : memref<6x128x128xf32, #tpu.memory_space<vmem>> -> memref<1x128x128xf32, #tpu.memory_space<vmem>>
    %dma_start3A_304 = tpu.memref_squeeze %dma_start3A_303 : memref<1x128x128xf32, #tpu.memory_space<vmem>> -> memref<128x128xf32, #tpu.memory_space<vmem>>
    %dma_start3A_305 = arith.constant 0 : i32
    %dma_start3A_306 = tpu.memref_slice %arg9[%add3A_299, %dma_start3A_305] : memref<8192x128xf32, #tpu.memory_space<hbm>> -> memref<128x128xf32, #tpu.memory_space<hbm>>
    %dma_start3A_307 = arith.constant 0 : i32
    %dma_start3A_308 = tpu.memref_slice %arg9[%add3A_299, %dma_start3A_307] : memref<8192x128xf32, #tpu.memory_space<hbm>> -> memref<128x128xf32, #tpu.memory_space<hbm>>
    %dma_start3A_309 = arith.constant 0 : i32
    %dma_start3A_310 = arith.constant 0 : i32
    %dma_start3A_311 = tpu.memref_slice %arg12[%dma_start3A_300, %dma_start3A_309, %dma_start3A_310] : memref<6x128x128xf32, #tpu.memory_space<vmem>> -> memref<1x128x128xf32, #tpu.memory_space<vmem>>
    %dma_start3A_312 = tpu.memref_squeeze %dma_start3A_311 : memref<1x128x128xf32, #tpu.memory_space<vmem>> -> memref<128x128xf32, #tpu.memory_space<vmem>>
    tpu.enqueue_dma source(%dma_start3A_312 : memref<128x128xf32, #tpu.memory_space<vmem>>) target(%dma_start3A_308 : memref<128x128xf32, #tpu.memory_space<hbm>>) target_semaphore(%arg25 : memref<!tpu.dma_semaphore, #tpu.memory_space<semaphore_mem>>)
    %dma_wait3A_313 = arith.constant 2 : i32
    %dma_wait3A_314 = arith.constant 0 : i32
    %dma_wait3A_315 = arith.constant 4 : i32
    %dma_wait3A_316 = arith.constant 0 : i32
    %dma_wait3A_317 = arith.constant 0 : i32
    %dma_wait3A_318 = tpu.memref_slice %arg12[%dma_wait3A_315, %dma_wait3A_316, %dma_wait3A_317] : memref<6x128x128xf32, #tpu.memory_space<vmem>> -> memref<1x128x128xf32, #tpu.memory_space<vmem>>
    %dma_wait3A_319 = tpu.memref_squeeze %dma_wait3A_318 : memref<1x128x128xf32, #tpu.memory_space<vmem>> -> memref<128x128xf32, #tpu.memory_space<vmem>>
    %dma_wait3A_320 = arith.constant 0 : i32
    %dma_wait3A_321 = arith.constant 0 : i32
    %dma_wait3A_322 = tpu.memref_slice %arg11[%dma_wait3A_313, %dma_wait3A_320, %dma_wait3A_321] : memref<3x2x128xi32, #tpu.memory_space<vmem>> -> memref<1x2x128xi32, #tpu.memory_space<vmem>>
    %dma_wait3A_323 = tpu.memref_squeeze %dma_wait3A_322 : memref<1x2x128xi32, #tpu.memory_space<vmem>> -> memref<2x128xi32, #tpu.memory_space<vmem>>
    %dma_wait3A_324 = arith.constant 0 : i32
    %dma_wait3A_325 = tpu.memref_slice %dma_wait3A_323[%dma_wait3A_314, %dma_wait3A_324] : memref<2x128xi32, #tpu.memory_space<vmem>> -> memref<1x128xi32, #tpu.memory_space<vmem>>
    %dma_wait3A_326 = tpu.memref_squeeze %dma_wait3A_325 : memref<1x128xi32, #tpu.memory_space<vmem>> -> memref<128xi32, #tpu.memory_space<vmem>>
    %dma_wait3A_327 = arith.constant 0 : i32
    %dma_wait3A_328 = arith.constant 0 : i32
    %dma_wait3A_329 = tpu.memref_slice %arg4[%dma_wait3A_327, %dma_wait3A_328] : memref<100000x128xf32, #tpu.memory_space<hbm>> -> memref<100000x128xf32, #tpu.memory_space<hbm>>
    tpu.wait_indirect_dma semaphore(%arg20 : memref<!tpu.dma_semaphore, #tpu.memory_space<semaphore_mem>>) src(%dma_wait3A_329 : memref<100000x128xf32, #tpu.memory_space<hbm>>) dst(%dma_wait3A_319 : memref<128x128xf32, #tpu.memory_space<vmem>>)
    %add3A_330 = arith.constant 0 : i32
    %add3A_331 = arith.addi %mul3A_2, %add3A_330 : i32
    %dma_start3A_332 = arith.constant 4 : i32
    %dma_start3A_333 = arith.constant 0 : i32
    %dma_start3A_334 = arith.constant 0 : i32
    %dma_start3A_335 = tpu.memref_slice %arg12[%dma_start3A_332, %dma_start3A_333, %dma_start3A_334] : memref<6x128x128xf32, #tpu.memory_space<vmem>> -> memref<1x128x128xf32, #tpu.memory_space<vmem>>
    %dma_start3A_336 = tpu.memref_squeeze %dma_start3A_335 : memref<1x128x128xf32, #tpu.memory_space<vmem>> -> memref<128x128xf32, #tpu.memory_space<vmem>>
    %dma_start3A_337 = arith.constant 0 : i32
    %dma_start3A_338 = tpu.memref_slice %arg10[%add3A_331, %dma_start3A_337] : memref<8192x128xf32, #tpu.memory_space<hbm>> -> memref<128x128xf32, #tpu.memory_space<hbm>>
    %dma_start3A_339 = arith.constant 0 : i32
    %dma_start3A_340 = tpu.memref_slice %arg10[%add3A_331, %dma_start3A_339] : memref<8192x128xf32, #tpu.memory_space<hbm>> -> memref<128x128xf32, #tpu.memory_space<hbm>>
    %dma_start3A_341 = arith.constant 0 : i32
    %dma_start3A_342 = arith.constant 0 : i32
    %dma_start3A_343 = tpu.memref_slice %arg12[%dma_start3A_332, %dma_start3A_341, %dma_start3A_342] : memref<6x128x128xf32, #tpu.memory_space<vmem>> -> memref<1x128x128xf32, #tpu.memory_space<vmem>>
    %dma_start3A_344 = tpu.memref_squeeze %dma_start3A_343 : memref<1x128x128xf32, #tpu.memory_space<vmem>> -> memref<128x128xf32, #tpu.memory_space<vmem>>
    tpu.enqueue_dma source(%dma_start3A_344 : memref<128x128xf32, #tpu.memory_space<vmem>>) target(%dma_start3A_340 : memref<128x128xf32, #tpu.memory_space<hbm>>) target_semaphore(%arg26 : memref<!tpu.dma_semaphore, #tpu.memory_space<semaphore_mem>>)
    %dma_wait3A_345 = arith.constant 2 : i32
    %dma_wait3A_346 = arith.constant 1 : i32
    %dma_wait3A_347 = arith.constant 5 : i32
    %dma_wait3A_348 = arith.constant 0 : i32
    %dma_wait3A_349 = arith.constant 0 : i32
    %dma_wait3A_350 = tpu.memref_slice %arg12[%dma_wait3A_347, %dma_wait3A_348, %dma_wait3A_349] : memref<6x128x128xf32, #tpu.memory_space<vmem>> -> memref<1x128x128xf32, #tpu.memory_space<vmem>>
    %dma_wait3A_351 = tpu.memref_squeeze %dma_wait3A_350 : memref<1x128x128xf32, #tpu.memory_space<vmem>> -> memref<128x128xf32, #tpu.memory_space<vmem>>
    %dma_wait3A_352 = arith.constant 0 : i32
    %dma_wait3A_353 = arith.constant 0 : i32
    %dma_wait3A_354 = tpu.memref_slice %arg11[%dma_wait3A_345, %dma_wait3A_352, %dma_wait3A_353] : memref<3x2x128xi32, #tpu.memory_space<vmem>> -> memref<1x2x128xi32, #tpu.memory_space<vmem>>
    %dma_wait3A_355 = tpu.memref_squeeze %dma_wait3A_354 : memref<1x2x128xi32, #tpu.memory_space<vmem>> -> memref<2x128xi32, #tpu.memory_space<vmem>>
    %dma_wait3A_356 = arith.constant 0 : i32
    %dma_wait3A_357 = tpu.memref_slice %dma_wait3A_355[%dma_wait3A_346, %dma_wait3A_356] : memref<2x128xi32, #tpu.memory_space<vmem>> -> memref<1x128xi32, #tpu.memory_space<vmem>>
    %dma_wait3A_358 = tpu.memref_squeeze %dma_wait3A_357 : memref<1x128xi32, #tpu.memory_space<vmem>> -> memref<128xi32, #tpu.memory_space<vmem>>
    %dma_wait3A_359 = arith.constant 0 : i32
    %dma_wait3A_360 = arith.constant 0 : i32
    %dma_wait3A_361 = tpu.memref_slice %arg4[%dma_wait3A_359, %dma_wait3A_360] : memref<100000x128xf32, #tpu.memory_space<hbm>> -> memref<100000x128xf32, #tpu.memory_space<hbm>>
    tpu.wait_indirect_dma semaphore(%arg21 : memref<!tpu.dma_semaphore, #tpu.memory_space<semaphore_mem>>) src(%dma_wait3A_361 : memref<100000x128xf32, #tpu.memory_space<hbm>>) dst(%dma_wait3A_351 : memref<128x128xf32, #tpu.memory_space<vmem>>)
    %add3A_362 = arith.constant 128 : i32
    %add3A_363 = arith.addi %mul3A_2, %add3A_362 : i32
    %dma_start3A_364 = arith.constant 5 : i32
    %dma_start3A_365 = arith.constant 0 : i32
    %dma_start3A_366 = arith.constant 0 : i32
    %dma_start3A_367 = tpu.memref_slice %arg12[%dma_start3A_364, %dma_start3A_365, %dma_start3A_366] : memref<6x128x128xf32, #tpu.memory_space<vmem>> -> memref<1x128x128xf32, #tpu.memory_space<vmem>>
    %dma_start3A_368 = tpu.memref_squeeze %dma_start3A_367 : memref<1x128x128xf32, #tpu.memory_space<vmem>> -> memref<128x128xf32, #tpu.memory_space<vmem>>
    %dma_start3A_369 = arith.constant 0 : i32
    %dma_start3A_370 = tpu.memref_slice %arg10[%add3A_363, %dma_start3A_369] : memref<8192x128xf32, #tpu.memory_space<hbm>> -> memref<128x128xf32, #tpu.memory_space<hbm>>
    %dma_start3A_371 = arith.constant 0 : i32
    %dma_start3A_372 = tpu.memref_slice %arg10[%add3A_363, %dma_start3A_371] : memref<8192x128xf32, #tpu.memory_space<hbm>> -> memref<128x128xf32, #tpu.memory_space<hbm>>
    %dma_start3A_373 = arith.constant 0 : i32
    %dma_start3A_374 = arith.constant 0 : i32
    %dma_start3A_375 = tpu.memref_slice %arg12[%dma_start3A_364, %dma_start3A_373, %dma_start3A_374] : memref<6x128x128xf32, #tpu.memory_space<vmem>> -> memref<1x128x128xf32, #tpu.memory_space<vmem>>
    %dma_start3A_376 = tpu.memref_squeeze %dma_start3A_375 : memref<1x128x128xf32, #tpu.memory_space<vmem>> -> memref<128x128xf32, #tpu.memory_space<vmem>>
    tpu.enqueue_dma source(%dma_start3A_376 : memref<128x128xf32, #tpu.memory_space<vmem>>) target(%dma_start3A_372 : memref<128x128xf32, #tpu.memory_space<hbm>>) target_semaphore(%arg27 : memref<!tpu.dma_semaphore, #tpu.memory_space<semaphore_mem>>)
    %dma_wait3A_377 = arith.constant 0 : i32
    %dma_wait3A_378 = arith.constant 0 : i32
    %dma_wait3A_379 = arith.constant 0 : i32
    %dma_wait3A_380 = tpu.memref_slice %arg12[%dma_wait3A_377, %dma_wait3A_378, %dma_wait3A_379] : memref<6x128x128xf32, #tpu.memory_space<vmem>> -> memref<1x128x128xf32, #tpu.memory_space<vmem>>
    %dma_wait3A_381 = tpu.memref_squeeze %dma_wait3A_380 : memref<1x128x128xf32, #tpu.memory_space<vmem>> -> memref<128x128xf32, #tpu.memory_space<vmem>>
    %dma_wait3A_382 = arith.constant 0 : i32
    %dma_wait3A_383 = tpu.memref_slice %arg8[%add3A_203, %dma_wait3A_382] : memref<8192x128xf32, #tpu.memory_space<hbm>> -> memref<128x128xf32, #tpu.memory_space<hbm>>
    %dma_wait3A_384 = arith.constant 0 : i32
    %dma_wait3A_385 = tpu.memref_slice %arg8[%add3A_203, %dma_wait3A_384] : memref<8192x128xf32, #tpu.memory_space<hbm>> -> memref<128x128xf32, #tpu.memory_space<hbm>>
    %dma_wait3A_386 = arith.constant 0 : i32
    %dma_wait3A_387 = arith.constant 0 : i32
    %dma_wait3A_388 = tpu.memref_slice %arg12[%dma_wait3A_377, %dma_wait3A_386, %dma_wait3A_387] : memref<6x128x128xf32, #tpu.memory_space<vmem>> -> memref<1x128x128xf32, #tpu.memory_space<vmem>>
    %dma_wait3A_389 = tpu.memref_squeeze %dma_wait3A_388 : memref<1x128x128xf32, #tpu.memory_space<vmem>> -> memref<128x128xf32, #tpu.memory_space<vmem>>
    tpu.wait_dma2 semaphore(%arg22 : memref<!tpu.dma_semaphore, #tpu.memory_space<semaphore_mem>>) src(%dma_wait3A_389 : memref<128x128xf32, #tpu.memory_space<vmem>>) dst(%dma_wait3A_385 : memref<128x128xf32, #tpu.memory_space<hbm>>)
    %dma_wait3A_390 = arith.constant 1 : i32
    %dma_wait3A_391 = arith.constant 0 : i32
    %dma_wait3A_392 = arith.constant 0 : i32
    %dma_wait3A_393 = tpu.memref_slice %arg12[%dma_wait3A_390, %dma_wait3A_391, %dma_wait3A_392] : memref<6x128x128xf32, #tpu.memory_space<vmem>> -> memref<1x128x128xf32, #tpu.memory_space<vmem>>
    %dma_wait3A_394 = tpu.memref_squeeze %dma_wait3A_393 : memref<1x128x128xf32, #tpu.memory_space<vmem>> -> memref<128x128xf32, #tpu.memory_space<vmem>>
    %dma_wait3A_395 = arith.constant 0 : i32
    %dma_wait3A_396 = tpu.memref_slice %arg8[%add3A_235, %dma_wait3A_395] : memref<8192x128xf32, #tpu.memory_space<hbm>> -> memref<128x128xf32, #tpu.memory_space<hbm>>
    %dma_wait3A_397 = arith.constant 0 : i32
    %dma_wait3A_398 = tpu.memref_slice %arg8[%add3A_235, %dma_wait3A_397] : memref<8192x128xf32, #tpu.memory_space<hbm>> -> memref<128x128xf32, #tpu.memory_space<hbm>>
    %dma_wait3A_399 = arith.constant 0 : i32
    %dma_wait3A_400 = arith.constant 0 : i32
    %dma_wait3A_401 = tpu.memref_slice %arg12[%dma_wait3A_390, %dma_wait3A_399, %dma_wait3A_400] : memref<6x128x128xf32, #tpu.memory_space<vmem>> -> memref<1x128x128xf32, #tpu.memory_space<vmem>>
    %dma_wait3A_402 = tpu.memref_squeeze %dma_wait3A_401 : memref<1x128x128xf32, #tpu.memory_space<vmem>> -> memref<128x128xf32, #tpu.memory_space<vmem>>
    tpu.wait_dma2 semaphore(%arg23 : memref<!tpu.dma_semaphore, #tpu.memory_space<semaphore_mem>>) src(%dma_wait3A_402 : memref<128x128xf32, #tpu.memory_space<vmem>>) dst(%dma_wait3A_398 : memref<128x128xf32, #tpu.memory_space<hbm>>)
    %dma_wait3A_403 = arith.constant 2 : i32
    %dma_wait3A_404 = arith.constant 0 : i32
    %dma_wait3A_405 = arith.constant 0 : i32
    %dma_wait3A_406 = tpu.memref_slice %arg12[%dma_wait3A_403, %dma_wait3A_404, %dma_wait3A_405] : memref<6x128x128xf32, #tpu.memory_space<vmem>> -> memref<1x128x128xf32, #tpu.memory_space<vmem>>
    %dma_wait3A_407 = tpu.memref_squeeze %dma_wait3A_406 : memref<1x128x128xf32, #tpu.memory_space<vmem>> -> memref<128x128xf32, #tpu.memory_space<vmem>>
    %dma_wait3A_408 = arith.constant 0 : i32
    %dma_wait3A_409 = tpu.memref_slice %arg9[%add3A_267, %dma_wait3A_408] : memref<8192x128xf32, #tpu.memory_space<hbm>> -> memref<128x128xf32, #tpu.memory_space<hbm>>
    %dma_wait3A_410 = arith.constant 0 : i32
    %dma_wait3A_411 = tpu.memref_slice %arg9[%add3A_267, %dma_wait3A_410] : memref<8192x128xf32, #tpu.memory_space<hbm>> -> memref<128x128xf32, #tpu.memory_space<hbm>>
    %dma_wait3A_412 = arith.constant 0 : i32
    %dma_wait3A_413 = arith.constant 0 : i32
    %dma_wait3A_414 = tpu.memref_slice %arg12[%dma_wait3A_403, %dma_wait3A_412, %dma_wait3A_413] : memref<6x128x128xf32, #tpu.memory_space<vmem>> -> memref<1x128x128xf32, #tpu.memory_space<vmem>>
    %dma_wait3A_415 = tpu.memref_squeeze %dma_wait3A_414 : memref<1x128x128xf32, #tpu.memory_space<vmem>> -> memref<128x128xf32, #tpu.memory_space<vmem>>
    tpu.wait_dma2 semaphore(%arg24 : memref<!tpu.dma_semaphore, #tpu.memory_space<semaphore_mem>>) src(%dma_wait3A_415 : memref<128x128xf32, #tpu.memory_space<vmem>>) dst(%dma_wait3A_411 : memref<128x128xf32, #tpu.memory_space<hbm>>)
    %dma_wait3A_416 = arith.constant 3 : i32
    %dma_wait3A_417 = arith.constant 0 : i32
    %dma_wait3A_418 = arith.constant 0 : i32
    %dma_wait3A_419 = tpu.memref_slice %arg12[%dma_wait3A_416, %dma_wait3A_417, %dma_wait3A_418] : memref<6x128x128xf32, #tpu.memory_space<vmem>> -> memref<1x128x128xf32, #tpu.memory_space<vmem>>
    %dma_wait3A_420 = tpu.memref_squeeze %dma_wait3A_419 : memref<1x128x128xf32, #tpu.memory_space<vmem>> -> memref<128x128xf32, #tpu.memory_space<vmem>>
    %dma_wait3A_421 = arith.constant 0 : i32
    %dma_wait3A_422 = tpu.memref_slice %arg9[%add3A_299, %dma_wait3A_421] : memref<8192x128xf32, #tpu.memory_space<hbm>> -> memref<128x128xf32, #tpu.memory_space<hbm>>
    %dma_wait3A_423 = arith.constant 0 : i32
    %dma_wait3A_424 = tpu.memref_slice %arg9[%add3A_299, %dma_wait3A_423] : memref<8192x128xf32, #tpu.memory_space<hbm>> -> memref<128x128xf32, #tpu.memory_space<hbm>>
    %dma_wait3A_425 = arith.constant 0 : i32
    %dma_wait3A_426 = arith.constant 0 : i32
    %dma_wait3A_427 = tpu.memref_slice %arg12[%dma_wait3A_416, %dma_wait3A_425, %dma_wait3A_426] : memref<6x128x128xf32, #tpu.memory_space<vmem>> -> memref<1x128x128xf32, #tpu.memory_space<vmem>>
    %dma_wait3A_428 = tpu.memref_squeeze %dma_wait3A_427 : memref<1x128x128xf32, #tpu.memory_space<vmem>> -> memref<128x128xf32, #tpu.memory_space<vmem>>
    tpu.wait_dma2 semaphore(%arg25 : memref<!tpu.dma_semaphore, #tpu.memory_space<semaphore_mem>>) src(%dma_wait3A_428 : memref<128x128xf32, #tpu.memory_space<vmem>>) dst(%dma_wait3A_424 : memref<128x128xf32, #tpu.memory_space<hbm>>)
    %dma_wait3A_429 = arith.constant 4 : i32
    %dma_wait3A_430 = arith.constant 0 : i32
    %dma_wait3A_431 = arith.constant 0 : i32
    %dma_wait3A_432 = tpu.memref_slice %arg12[%dma_wait3A_429, %dma_wait3A_430, %dma_wait3A_431] : memref<6x128x128xf32, #tpu.memory_space<vmem>> -> memref<1x128x128xf32, #tpu.memory_space<vmem>>
    %dma_wait3A_433 = tpu.memref_squeeze %dma_wait3A_432 : memref<1x128x128xf32, #tpu.memory_space<vmem>> -> memref<128x128xf32, #tpu.memory_space<vmem>>
    %dma_wait3A_434 = arith.constant 0 : i32
    %dma_wait3A_435 = tpu.memref_slice %arg10[%add3A_331, %dma_wait3A_434] : memref<8192x128xf32, #tpu.memory_space<hbm>> -> memref<128x128xf32, #tpu.memory_space<hbm>>
    %dma_wait3A_436 = arith.constant 0 : i32
    %dma_wait3A_437 = tpu.memref_slice %arg10[%add3A_331, %dma_wait3A_436] : memref<8192x128xf32, #tpu.memory_space<hbm>> -> memref<128x128xf32, #tpu.memory_space<hbm>>
    %dma_wait3A_438 = arith.constant 0 : i32
    %dma_wait3A_439 = arith.constant 0 : i32
    %dma_wait3A_440 = tpu.memref_slice %arg12[%dma_wait3A_429, %dma_wait3A_438, %dma_wait3A_439] : memref<6x128x128xf32, #tpu.memory_space<vmem>> -> memref<1x128x128xf32, #tpu.memory_space<vmem>>
    %dma_wait3A_441 = tpu.memref_squeeze %dma_wait3A_440 : memref<1x128x128xf32, #tpu.memory_space<vmem>> -> memref<128x128xf32, #tpu.memory_space<vmem>>
    tpu.wait_dma2 semaphore(%arg26 : memref<!tpu.dma_semaphore, #tpu.memory_space<semaphore_mem>>) src(%dma_wait3A_441 : memref<128x128xf32, #tpu.memory_space<vmem>>) dst(%dma_wait3A_437 : memref<128x128xf32, #tpu.memory_space<hbm>>)
    %dma_wait3A_442 = arith.constant 5 : i32
    %dma_wait3A_443 = arith.constant 0 : i32
    %dma_wait3A_444 = arith.constant 0 : i32
    %dma_wait3A_445 = tpu.memref_slice %arg12[%dma_wait3A_442, %dma_wait3A_443, %dma_wait3A_444] : memref<6x128x128xf32, #tpu.memory_space<vmem>> -> memref<1x128x128xf32, #tpu.memory_space<vmem>>
    %dma_wait3A_446 = tpu.memref_squeeze %dma_wait3A_445 : memref<1x128x128xf32, #tpu.memory_space<vmem>> -> memref<128x128xf32, #tpu.memory_space<vmem>>
    %dma_wait3A_447 = arith.constant 0 : i32
    %dma_wait3A_448 = tpu.memref_slice %arg10[%add3A_363, %dma_wait3A_447] : memref<8192x128xf32, #tpu.memory_space<hbm>> -> memref<128x128xf32, #tpu.memory_space<hbm>>
    %dma_wait3A_449 = arith.constant 0 : i32
    %dma_wait3A_450 = tpu.memref_slice %arg10[%add3A_363, %dma_wait3A_449] : memref<8192x128xf32, #tpu.memory_space<hbm>> -> memref<128x128xf32, #tpu.memory_space<hbm>>
    %dma_wait3A_451 = arith.constant 0 : i32
    %dma_wait3A_452 = arith.constant 0 : i32
    %dma_wait3A_453 = tpu.memref_slice %arg12[%dma_wait3A_442, %dma_wait3A_451, %dma_wait3A_452] : memref<6x128x128xf32, #tpu.memory_space<vmem>> -> memref<1x128x128xf32, #tpu.memory_space<vmem>>
    %dma_wait3A_454 = tpu.memref_squeeze %dma_wait3A_453 : memref<1x128x128xf32, #tpu.memory_space<vmem>> -> memref<128x128xf32, #tpu.memory_space<vmem>>
    tpu.wait_dma2 semaphore(%arg27 : memref<!tpu.dma_semaphore, #tpu.memory_space<semaphore_mem>>) src(%dma_wait3A_454 : memref<128x128xf32, #tpu.memory_space<vmem>>) dst(%dma_wait3A_450 : memref<128x128xf32, #tpu.memory_space<hbm>>)
    return
  }
}

#map = affine_map<(d0, d1) -> (0, 0)>
module attributes {stable_mosaic.version = 14 : i64} {
  func.func @k(%arg0: i32, %arg1: i32, %arg2: memref<100000x128xf32, #tpu.memory_space<hbm>>, %arg3: memref<100000x128xf32, #tpu.memory_space<hbm>>, %arg4: memref<100000x128xf32, #tpu.memory_space<hbm>>, %arg5: memref<128x128xi32, #tpu.memory_space<hbm>>, %arg6: memref<128x128xi32, #tpu.memory_space<hbm>>, %arg7: memref<128x128xi32, #tpu.memory_space<hbm>>, %arg8: memref<8192x128xf32, #tpu.memory_space<hbm>>, %arg9: memref<8192x128xf32, #tpu.memory_space<hbm>>, %arg10: memref<8192x128xf32, #tpu.memory_space<hbm>>, %arg11: memref<3x2x128xi32, #tpu.memory_space<vmem>>, %arg12: memref<6x128x128xf32, #tpu.memory_space<vmem>>, %arg13: memref<!tpu.dma_semaphore, #tpu.memory_space<semaphore_mem>>, %arg14: memref<!tpu.dma_semaphore, #tpu.memory_space<semaphore_mem>>, %arg15: memref<!tpu.dma_semaphore, #tpu.memory_space<semaphore_mem>>, %arg16: memref<!tpu.dma_semaphore, #tpu.memory_space<semaphore_mem>>, %arg17: memref<!tpu.dma_semaphore, #tpu.memory_space<semaphore_mem>>, %arg18: memref<!tpu.dma_semaphore, #tpu.memory_space<semaphore_mem>>, %arg19: memref<!tpu.dma_semaphore, #tpu.memory_space<semaphore_mem>>, %arg20: memref<!tpu.dma_semaphore, #tpu.memory_space<semaphore_mem>>, %arg21: memref<!tpu.dma_semaphore, #tpu.memory_space<semaphore_mem>>, %arg22: memref<!tpu.dma_semaphore, #tpu.memory_space<semaphore_mem>>, %arg23: memref<!tpu.dma_semaphore, #tpu.memory_space<semaphore_mem>>, %arg24: memref<!tpu.dma_semaphore, #tpu.memory_space<semaphore_mem>>, %arg25: memref<!tpu.dma_semaphore, #tpu.memory_space<semaphore_mem>>, %arg26: memref<!tpu.dma_semaphore, #tpu.memory_space<semaphore_mem>>, %arg27: memref<!tpu.dma_semaphore, #tpu.memory_space<semaphore_mem>>) attributes {dimension_semantics = [#tpu.dimension_semantics<core_parallel>, #tpu.dimension_semantics<subcore_parallel>], iteration_bounds = array<i64: 2, 16>, scalar_prefetch = 0 : i64, scratch_operands = 17 : i64, tpu.core_type = #tpu.core_type<sc_vector_subcore>, window_params = [{transform_indices = #map}, {transform_indices = #map}, {transform_indices = #map}, {transform_indices = #map}, {transform_indices = #map}, {transform_indices = #map}, {transform_indices = #map}, {transform_indices = #map}, {transform_indices = #map}]} {
    %mul3A = arith.constant 2 : i32
    %mul3A_0 = arith.muli %arg1, %mul3A : i32
    %add3A = arith.addi %mul3A_0, %arg0 : i32
    %mul3A_1 = arith.constant 256 : i32
    %mul3A_2 = arith.muli %add3A, %mul3A_1 : i32
    %mul3A_3 = arith.constant 2 : i32
    %mul3A_4 = arith.muli %add3A, %mul3A_3 : i32
    %add3A_5 = arith.constant 64 : i32
    %add3A_6 = arith.addi %add3A_5, %mul3A_4 : i32
    %dma_start3A = arith.constant 0 : i32
    %dma_start3A_7 = arith.constant 0 : i32
    %dma_start3A_8 = arith.constant 0 : i32
    %dma_start3A_9 = tpu.memref_slice %arg11[%dma_start3A, %dma_start3A_7, %dma_start3A_8] : memref<3x2x128xi32, #tpu.memory_space<vmem>> -> memref<1x2x128xi32, #tpu.memory_space<vmem>>
    %dma_start3A_10 = tpu.memref_squeeze %dma_start3A_9 : memref<1x2x128xi32, #tpu.memory_space<vmem>> -> memref<2x128xi32, #tpu.memory_space<vmem>>
    %dma_start3A_11 = arith.constant 0 : i32
    %dma_start3A_12 = tpu.memref_slice %arg5[%add3A_6, %dma_start3A_11] : memref<128x128xi32, #tpu.memory_space<hbm>> -> memref<2x128xi32, #tpu.memory_space<hbm>>
    %dma_start3A_13 = arith.constant 0 : i32
    %dma_start3A_14 = arith.constant 0 : i32
    %dma_start3A_15 = tpu.memref_slice %arg11[%dma_start3A, %dma_start3A_13, %dma_start3A_14] : memref<3x2x128xi32, #tpu.memory_space<vmem>> -> memref<1x2x128xi32, #tpu.memory_space<vmem>>
    %dma_start3A_16 = tpu.memref_squeeze %dma_start3A_15 : memref<1x2x128xi32, #tpu.memory_space<vmem>> -> memref<2x128xi32, #tpu.memory_space<vmem>>
    %dma_start3A_17 = arith.constant 0 : i32
    %dma_start3A_18 = tpu.memref_slice %arg5[%add3A_6, %dma_start3A_17] : memref<128x128xi32, #tpu.memory_space<hbm>> -> memref<2x128xi32, #tpu.memory_space<hbm>>
    tpu.enqueue_dma source(%dma_start3A_18 : memref<2x128xi32, #tpu.memory_space<hbm>>) target(%dma_start3A_16 : memref<2x128xi32, #tpu.memory_space<vmem>>) target_semaphore(%arg13 : memref<!tpu.dma_semaphore, #tpu.memory_space<semaphore_mem>>)
    %dma_start3A_19 = arith.constant 1 : i32
    %dma_start3A_20 = arith.constant 0 : i32
    %dma_start3A_21 = arith.constant 0 : i32
    %dma_start3A_22 = tpu.memref_slice %arg11[%dma_start3A_19, %dma_start3A_20, %dma_start3A_21] : memref<3x2x128xi32, #tpu.memory_space<vmem>> -> memref<1x2x128xi32, #tpu.memory_space<vmem>>
    %dma_start3A_23 = tpu.memref_squeeze %dma_start3A_22 : memref<1x2x128xi32, #tpu.memory_space<vmem>> -> memref<2x128xi32, #tpu.memory_space<vmem>>
    %dma_start3A_24 = arith.constant 0 : i32
    %dma_start3A_25 = tpu.memref_slice %arg6[%add3A_6, %dma_start3A_24] : memref<128x128xi32, #tpu.memory_space<hbm>> -> memref<2x128xi32, #tpu.memory_space<hbm>>
    %dma_start3A_26 = arith.constant 0 : i32
    %dma_start3A_27 = arith.constant 0 : i32
    %dma_start3A_28 = tpu.memref_slice %arg11[%dma_start3A_19, %dma_start3A_26, %dma_start3A_27] : memref<3x2x128xi32, #tpu.memory_space<vmem>> -> memref<1x2x128xi32, #tpu.memory_space<vmem>>
    %dma_start3A_29 = tpu.memref_squeeze %dma_start3A_28 : memref<1x2x128xi32, #tpu.memory_space<vmem>> -> memref<2x128xi32, #tpu.memory_space<vmem>>
    %dma_start3A_30 = arith.constant 0 : i32
    %dma_start3A_31 = tpu.memref_slice %arg6[%add3A_6, %dma_start3A_30] : memref<128x128xi32, #tpu.memory_space<hbm>> -> memref<2x128xi32, #tpu.memory_space<hbm>>
    tpu.enqueue_dma source(%dma_start3A_31 : memref<2x128xi32, #tpu.memory_space<hbm>>) target(%dma_start3A_29 : memref<2x128xi32, #tpu.memory_space<vmem>>) target_semaphore(%arg14 : memref<!tpu.dma_semaphore, #tpu.memory_space<semaphore_mem>>)
    %dma_start3A_32 = arith.constant 2 : i32
    %dma_start3A_33 = arith.constant 0 : i32
    %dma_start3A_34 = arith.constant 0 : i32
    %dma_start3A_35 = tpu.memref_slice %arg11[%dma_start3A_32, %dma_start3A_33, %dma_start3A_34] : memref<3x2x128xi32, #tpu.memory_space<vmem>> -> memref<1x2x128xi32, #tpu.memory_space<vmem>>
    %dma_start3A_36 = tpu.memref_squeeze %dma_start3A_35 : memref<1x2x128xi32, #tpu.memory_space<vmem>> -> memref<2x128xi32, #tpu.memory_space<vmem>>
    %dma_start3A_37 = arith.constant 0 : i32
    %dma_start3A_38 = tpu.memref_slice %arg7[%add3A_6, %dma_start3A_37] : memref<128x128xi32, #tpu.memory_space<hbm>> -> memref<2x128xi32, #tpu.memory_space<hbm>>
    %dma_start3A_39 = arith.constant 0 : i32
    %dma_start3A_40 = arith.constant 0 : i32
    %dma_start3A_41 = tpu.memref_slice %arg11[%dma_start3A_32, %dma_start3A_39, %dma_start3A_40] : memref<3x2x128xi32, #tpu.memory_space<vmem>> -> memref<1x2x128xi32, #tpu.memory_space<vmem>>
    %dma_start3A_42 = tpu.memref_squeeze %dma_start3A_41 : memref<1x2x128xi32, #tpu.memory_space<vmem>> -> memref<2x128xi32, #tpu.memory_space<vmem>>
    %dma_start3A_43 = arith.constant 0 : i32
    %dma_start3A_44 = tpu.memref_slice %arg7[%add3A_6, %dma_start3A_43] : memref<128x128xi32, #tpu.memory_space<hbm>> -> memref<2x128xi32, #tpu.memory_space<hbm>>
    tpu.enqueue_dma source(%dma_start3A_44 : memref<2x128xi32, #tpu.memory_space<hbm>>) target(%dma_start3A_42 : memref<2x128xi32, #tpu.memory_space<vmem>>) target_semaphore(%arg15 : memref<!tpu.dma_semaphore, #tpu.memory_space<semaphore_mem>>)
    %dma_wait3A = arith.constant 0 : i32
    %dma_wait3A_45 = arith.constant 0 : i32
    %dma_wait3A_46 = arith.constant 0 : i32
    %dma_wait3A_47 = tpu.memref_slice %arg11[%dma_wait3A, %dma_wait3A_45, %dma_wait3A_46] : memref<3x2x128xi32, #tpu.memory_space<vmem>> -> memref<1x2x128xi32, #tpu.memory_space<vmem>>
    %dma_wait3A_48 = tpu.memref_squeeze %dma_wait3A_47 : memref<1x2x128xi32, #tpu.memory_space<vmem>> -> memref<2x128xi32, #tpu.memory_space<vmem>>
    %dma_wait3A_49 = arith.constant 0 : i32
    %dma_wait3A_50 = tpu.memref_slice %arg5[%add3A_6, %dma_wait3A_49] : memref<128x128xi32, #tpu.memory_space<hbm>> -> memref<2x128xi32, #tpu.memory_space<hbm>>
    %dma_wait3A_51 = arith.constant 0 : i32
    %dma_wait3A_52 = arith.constant 0 : i32
    %dma_wait3A_53 = tpu.memref_slice %arg11[%dma_wait3A, %dma_wait3A_51, %dma_wait3A_52] : memref<3x2x128xi32, #tpu.memory_space<vmem>> -> memref<1x2x128xi32, #tpu.memory_space<vmem>>
    %dma_wait3A_54 = tpu.memref_squeeze %dma_wait3A_53 : memref<1x2x128xi32, #tpu.memory_space<vmem>> -> memref<2x128xi32, #tpu.memory_space<vmem>>
    %dma_wait3A_55 = arith.constant 0 : i32
    %dma_wait3A_56 = tpu.memref_slice %arg5[%add3A_6, %dma_wait3A_55] : memref<128x128xi32, #tpu.memory_space<hbm>> -> memref<2x128xi32, #tpu.memory_space<hbm>>
    tpu.wait_dma2 semaphore(%arg13 : memref<!tpu.dma_semaphore, #tpu.memory_space<semaphore_mem>>) src(%dma_wait3A_56 : memref<2x128xi32, #tpu.memory_space<hbm>>) dst(%dma_wait3A_54 : memref<2x128xi32, #tpu.memory_space<vmem>>)
    %dma_start3A_57 = arith.constant 0 : i32
    %dma_start3A_58 = arith.constant 0 : i32
    %dma_start3A_59 = arith.constant 0 : i32
    %dma_start3A_60 = arith.constant 0 : i32
    %dma_start3A_61 = arith.constant 0 : i32
    %dma_start3A_62 = tpu.memref_slice %arg12[%dma_start3A_59, %dma_start3A_60, %dma_start3A_61] : memref<6x128x128xf32, #tpu.memory_space<vmem>> -> memref<1x128x128xf32, #tpu.memory_space<vmem>>
    %dma_start3A_63 = tpu.memref_squeeze %dma_start3A_62 : memref<1x128x128xf32, #tpu.memory_space<vmem>> -> memref<128x128xf32, #tpu.memory_space<vmem>>
    %dma_start3A_64 = arith.constant 0 : i32
    %dma_start3A_65 = arith.constant 0 : i32
    %dma_start3A_66 = tpu.memref_slice %arg11[%dma_start3A_57, %dma_start3A_64, %dma_start3A_65] : memref<3x2x128xi32, #tpu.memory_space<vmem>> -> memref<1x2x128xi32, #tpu.memory_space<vmem>>
    %dma_start3A_67 = tpu.memref_squeeze %dma_start3A_66 : memref<1x2x128xi32, #tpu.memory_space<vmem>> -> memref<2x128xi32, #tpu.memory_space<vmem>>
    %dma_start3A_68 = arith.constant 0 : i32
    %dma_start3A_69 = tpu.memref_slice %dma_start3A_67[%dma_start3A_58, %dma_start3A_68] : memref<2x128xi32, #tpu.memory_space<vmem>> -> memref<1x128xi32, #tpu.memory_space<vmem>>
    %dma_start3A_70 = tpu.memref_squeeze %dma_start3A_69 : memref<1x128xi32, #tpu.memory_space<vmem>> -> memref<128xi32, #tpu.memory_space<vmem>>
    %dma_start3A_71 = arith.constant 0 : i32
    %dma_start3A_72 = arith.constant 0 : i32
    %dma_start3A_73 = tpu.memref_slice %arg2[%dma_start3A_71, %dma_start3A_72] : memref<100000x128xf32, #tpu.memory_space<hbm>> -> memref<100000x128xf32, #tpu.memory_space<hbm>>
    tpu.enqueue_indirect_dma source(%dma_start3A_73 : memref<100000x128xf32, #tpu.memory_space<hbm>>) target(%dma_start3A_63 : memref<128x128xf32, #tpu.memory_space<vmem>>) offsets(%dma_start3A_70 : memref<128xi32, #tpu.memory_space<vmem>>) semaphore(%arg16 : memref<!tpu.dma_semaphore, #tpu.memory_space<semaphore_mem>>)
    %dma_start3A_74 = arith.constant 0 : i32
    %dma_start3A_75 = arith.constant 1 : i32
    %dma_start3A_76 = arith.constant 1 : i32
    %dma_start3A_77 = arith.constant 0 : i32
    %dma_start3A_78 = arith.constant 0 : i32
    %dma_start3A_79 = tpu.memref_slice %arg12[%dma_start3A_76, %dma_start3A_77, %dma_start3A_78] : memref<6x128x128xf32, #tpu.memory_space<vmem>> -> memref<1x128x128xf32, #tpu.memory_space<vmem>>
    %dma_start3A_80 = tpu.memref_squeeze %dma_start3A_79 : memref<1x128x128xf32, #tpu.memory_space<vmem>> -> memref<128x128xf32, #tpu.memory_space<vmem>>
    %dma_start3A_81 = arith.constant 0 : i32
    %dma_start3A_82 = arith.constant 0 : i32
    %dma_start3A_83 = tpu.memref_slice %arg11[%dma_start3A_74, %dma_start3A_81, %dma_start3A_82] : memref<3x2x128xi32, #tpu.memory_space<vmem>> -> memref<1x2x128xi32, #tpu.memory_space<vmem>>
    %dma_start3A_84 = tpu.memref_squeeze %dma_start3A_83 : memref<1x2x128xi32, #tpu.memory_space<vmem>> -> memref<2x128xi32, #tpu.memory_space<vmem>>
    %dma_start3A_85 = arith.constant 0 : i32
    %dma_start3A_86 = tpu.memref_slice %dma_start3A_84[%dma_start3A_75, %dma_start3A_85] : memref<2x128xi32, #tpu.memory_space<vmem>> -> memref<1x128xi32, #tpu.memory_space<vmem>>
    %dma_start3A_87 = tpu.memref_squeeze %dma_start3A_86 : memref<1x128xi32, #tpu.memory_space<vmem>> -> memref<128xi32, #tpu.memory_space<vmem>>
    %dma_start3A_88 = arith.constant 0 : i32
    %dma_start3A_89 = arith.constant 0 : i32
    %dma_start3A_90 = tpu.memref_slice %arg2[%dma_start3A_88, %dma_start3A_89] : memref<100000x128xf32, #tpu.memory_space<hbm>> -> memref<100000x128xf32, #tpu.memory_space<hbm>>
    tpu.enqueue_indirect_dma source(%dma_start3A_90 : memref<100000x128xf32, #tpu.memory_space<hbm>>) target(%dma_start3A_80 : memref<128x128xf32, #tpu.memory_space<vmem>>) offsets(%dma_start3A_87 : memref<128xi32, #tpu.memory_space<vmem>>) semaphore(%arg17 : memref<!tpu.dma_semaphore, #tpu.memory_space<semaphore_mem>>)
    %dma_wait3A_91 = arith.constant 1 : i32
    %dma_wait3A_92 = arith.constant 0 : i32
    %dma_wait3A_93 = arith.constant 0 : i32
    %dma_wait3A_94 = tpu.memref_slice %arg11[%dma_wait3A_91, %dma_wait3A_92, %dma_wait3A_93] : memref<3x2x128xi32, #tpu.memory_space<vmem>> -> memref<1x2x128xi32, #tpu.memory_space<vmem>>
    %dma_wait3A_95 = tpu.memref_squeeze %dma_wait3A_94 : memref<1x2x128xi32, #tpu.memory_space<vmem>> -> memref<2x128xi32, #tpu.memory_space<vmem>>
    %dma_wait3A_96 = arith.constant 0 : i32
    %dma_wait3A_97 = tpu.memref_slice %arg6[%add3A_6, %dma_wait3A_96] : memref<128x128xi32, #tpu.memory_space<hbm>> -> memref<2x128xi32, #tpu.memory_space<hbm>>
    %dma_wait3A_98 = arith.constant 0 : i32
    %dma_wait3A_99 = arith.constant 0 : i32
    %dma_wait3A_100 = tpu.memref_slice %arg11[%dma_wait3A_91, %dma_wait3A_98, %dma_wait3A_99] : memref<3x2x128xi32, #tpu.memory_space<vmem>> -> memref<1x2x128xi32, #tpu.memory_space<vmem>>
    %dma_wait3A_101 = tpu.memref_squeeze %dma_wait3A_100 : memref<1x2x128xi32, #tpu.memory_space<vmem>> -> memref<2x128xi32, #tpu.memory_space<vmem>>
    %dma_wait3A_102 = arith.constant 0 : i32
    %dma_wait3A_103 = tpu.memref_slice %arg6[%add3A_6, %dma_wait3A_102] : memref<128x128xi32, #tpu.memory_space<hbm>> -> memref<2x128xi32, #tpu.memory_space<hbm>>
    tpu.wait_dma2 semaphore(%arg14 : memref<!tpu.dma_semaphore, #tpu.memory_space<semaphore_mem>>) src(%dma_wait3A_103 : memref<2x128xi32, #tpu.memory_space<hbm>>) dst(%dma_wait3A_101 : memref<2x128xi32, #tpu.memory_space<vmem>>)
    %dma_start3A_104 = arith.constant 1 : i32
    %dma_start3A_105 = arith.constant 0 : i32
    %dma_start3A_106 = arith.constant 2 : i32
    %dma_start3A_107 = arith.constant 0 : i32
    %dma_start3A_108 = arith.constant 0 : i32
    %dma_start3A_109 = tpu.memref_slice %arg12[%dma_start3A_106, %dma_start3A_107, %dma_start3A_108] : memref<6x128x128xf32, #tpu.memory_space<vmem>> -> memref<1x128x128xf32, #tpu.memory_space<vmem>>
    %dma_start3A_110 = tpu.memref_squeeze %dma_start3A_109 : memref<1x128x128xf32, #tpu.memory_space<vmem>> -> memref<128x128xf32, #tpu.memory_space<vmem>>
    %dma_start3A_111 = arith.constant 0 : i32
    %dma_start3A_112 = arith.constant 0 : i32
    %dma_start3A_113 = tpu.memref_slice %arg11[%dma_start3A_104, %dma_start3A_111, %dma_start3A_112] : memref<3x2x128xi32, #tpu.memory_space<vmem>> -> memref<1x2x128xi32, #tpu.memory_space<vmem>>
    %dma_start3A_114 = tpu.memref_squeeze %dma_start3A_113 : memref<1x2x128xi32, #tpu.memory_space<vmem>> -> memref<2x128xi32, #tpu.memory_space<vmem>>
    %dma_start3A_115 = arith.constant 0 : i32
    %dma_start3A_116 = tpu.memref_slice %dma_start3A_114[%dma_start3A_105, %dma_start3A_115] : memref<2x128xi32, #tpu.memory_space<vmem>> -> memref<1x128xi32, #tpu.memory_space<vmem>>
    %dma_start3A_117 = tpu.memref_squeeze %dma_start3A_116 : memref<1x128xi32, #tpu.memory_space<vmem>> -> memref<128xi32, #tpu.memory_space<vmem>>
    %dma_start3A_118 = arith.constant 0 : i32
    %dma_start3A_119 = arith.constant 0 : i32
    %dma_start3A_120 = tpu.memref_slice %arg3[%dma_start3A_118, %dma_start3A_119] : memref<100000x128xf32, #tpu.memory_space<hbm>> -> memref<100000x128xf32, #tpu.memory_space<hbm>>
    tpu.enqueue_indirect_dma source(%dma_start3A_120 : memref<100000x128xf32, #tpu.memory_space<hbm>>) target(%dma_start3A_110 : memref<128x128xf32, #tpu.memory_space<vmem>>) offsets(%dma_start3A_117 : memref<128xi32, #tpu.memory_space<vmem>>) semaphore(%arg18 : memref<!tpu.dma_semaphore, #tpu.memory_space<semaphore_mem>>)
    %dma_start3A_121 = arith.constant 1 : i32
    %dma_start3A_122 = arith.constant 1 : i32
    %dma_start3A_123 = arith.constant 3 : i32
    %dma_start3A_124 = arith.constant 0 : i32
    %dma_start3A_125 = arith.constant 0 : i32
    %dma_start3A_126 = tpu.memref_slice %arg12[%dma_start3A_123, %dma_start3A_124, %dma_start3A_125] : memref<6x128x128xf32, #tpu.memory_space<vmem>> -> memref<1x128x128xf32, #tpu.memory_space<vmem>>
    %dma_start3A_127 = tpu.memref_squeeze %dma_start3A_126 : memref<1x128x128xf32, #tpu.memory_space<vmem>> -> memref<128x128xf32, #tpu.memory_space<vmem>>
    %dma_start3A_128 = arith.constant 0 : i32
    %dma_start3A_129 = arith.constant 0 : i32
    %dma_start3A_130 = tpu.memref_slice %arg11[%dma_start3A_121, %dma_start3A_128, %dma_start3A_129] : memref<3x2x128xi32, #tpu.memory_space<vmem>> -> memref<1x2x128xi32, #tpu.memory_space<vmem>>
    %dma_start3A_131 = tpu.memref_squeeze %dma_start3A_130 : memref<1x2x128xi32, #tpu.memory_space<vmem>> -> memref<2x128xi32, #tpu.memory_space<vmem>>
    %dma_start3A_132 = arith.constant 0 : i32
    %dma_start3A_133 = tpu.memref_slice %dma_start3A_131[%dma_start3A_122, %dma_start3A_132] : memref<2x128xi32, #tpu.memory_space<vmem>> -> memref<1x128xi32, #tpu.memory_space<vmem>>
    %dma_start3A_134 = tpu.memref_squeeze %dma_start3A_133 : memref<1x128xi32, #tpu.memory_space<vmem>> -> memref<128xi32, #tpu.memory_space<vmem>>
    %dma_start3A_135 = arith.constant 0 : i32
    %dma_start3A_136 = arith.constant 0 : i32
    %dma_start3A_137 = tpu.memref_slice %arg3[%dma_start3A_135, %dma_start3A_136] : memref<100000x128xf32, #tpu.memory_space<hbm>> -> memref<100000x128xf32, #tpu.memory_space<hbm>>
    tpu.enqueue_indirect_dma source(%dma_start3A_137 : memref<100000x128xf32, #tpu.memory_space<hbm>>) target(%dma_start3A_127 : memref<128x128xf32, #tpu.memory_space<vmem>>) offsets(%dma_start3A_134 : memref<128xi32, #tpu.memory_space<vmem>>) semaphore(%arg19 : memref<!tpu.dma_semaphore, #tpu.memory_space<semaphore_mem>>)
    %dma_wait3A_138 = arith.constant 2 : i32
    %dma_wait3A_139 = arith.constant 0 : i32
    %dma_wait3A_140 = arith.constant 0 : i32
    %dma_wait3A_141 = tpu.memref_slice %arg11[%dma_wait3A_138, %dma_wait3A_139, %dma_wait3A_140] : memref<3x2x128xi32, #tpu.memory_space<vmem>> -> memref<1x2x128xi32, #tpu.memory_space<vmem>>
    %dma_wait3A_142 = tpu.memref_squeeze %dma_wait3A_141 : memref<1x2x128xi32, #tpu.memory_space<vmem>> -> memref<2x128xi32, #tpu.memory_space<vmem>>
    %dma_wait3A_143 = arith.constant 0 : i32
    %dma_wait3A_144 = tpu.memref_slice %arg7[%add3A_6, %dma_wait3A_143] : memref<128x128xi32, #tpu.memory_space<hbm>> -> memref<2x128xi32, #tpu.memory_space<hbm>>
    %dma_wait3A_145 = arith.constant 0 : i32
    %dma_wait3A_146 = arith.constant 0 : i32
    %dma_wait3A_147 = tpu.memref_slice %arg11[%dma_wait3A_138, %dma_wait3A_145, %dma_wait3A_146] : memref<3x2x128xi32, #tpu.memory_space<vmem>> -> memref<1x2x128xi32, #tpu.memory_space<vmem>>
    %dma_wait3A_148 = tpu.memref_squeeze %dma_wait3A_147 : memref<1x2x128xi32, #tpu.memory_space<vmem>> -> memref<2x128xi32, #tpu.memory_space<vmem>>
    %dma_wait3A_149 = arith.constant 0 : i32
    %dma_wait3A_150 = tpu.memref_slice %arg7[%add3A_6, %dma_wait3A_149] : memref<128x128xi32, #tpu.memory_space<hbm>> -> memref<2x128xi32, #tpu.memory_space<hbm>>
    tpu.wait_dma2 semaphore(%arg15 : memref<!tpu.dma_semaphore, #tpu.memory_space<semaphore_mem>>) src(%dma_wait3A_150 : memref<2x128xi32, #tpu.memory_space<hbm>>) dst(%dma_wait3A_148 : memref<2x128xi32, #tpu.memory_space<vmem>>)
    %dma_start3A_151 = arith.constant 2 : i32
    %dma_start3A_152 = arith.constant 0 : i32
    %dma_start3A_153 = arith.constant 4 : i32
    %dma_start3A_154 = arith.constant 0 : i32
    %dma_start3A_155 = arith.constant 0 : i32
    %dma_start3A_156 = tpu.memref_slice %arg12[%dma_start3A_153, %dma_start3A_154, %dma_start3A_155] : memref<6x128x128xf32, #tpu.memory_space<vmem>> -> memref<1x128x128xf32, #tpu.memory_space<vmem>>
    %dma_start3A_157 = tpu.memref_squeeze %dma_start3A_156 : memref<1x128x128xf32, #tpu.memory_space<vmem>> -> memref<128x128xf32, #tpu.memory_space<vmem>>
    %dma_start3A_158 = arith.constant 0 : i32
    %dma_start3A_159 = arith.constant 0 : i32
    %dma_start3A_160 = tpu.memref_slice %arg11[%dma_start3A_151, %dma_start3A_158, %dma_start3A_159] : memref<3x2x128xi32, #tpu.memory_space<vmem>> -> memref<1x2x128xi32, #tpu.memory_space<vmem>>
    %dma_start3A_161 = tpu.memref_squeeze %dma_start3A_160 : memref<1x2x128xi32, #tpu.memory_space<vmem>> -> memref<2x128xi32, #tpu.memory_space<vmem>>
    %dma_start3A_162 = arith.constant 0 : i32
    %dma_start3A_163 = tpu.memref_slice %dma_start3A_161[%dma_start3A_152, %dma_start3A_162] : memref<2x128xi32, #tpu.memory_space<vmem>> -> memref<1x128xi32, #tpu.memory_space<vmem>>
    %dma_start3A_164 = tpu.memref_squeeze %dma_start3A_163 : memref<1x128xi32, #tpu.memory_space<vmem>> -> memref<128xi32, #tpu.memory_space<vmem>>
    %dma_start3A_165 = arith.constant 0 : i32
    %dma_start3A_166 = arith.constant 0 : i32
    %dma_start3A_167 = tpu.memref_slice %arg4[%dma_start3A_165, %dma_start3A_166] : memref<100000x128xf32, #tpu.memory_space<hbm>> -> memref<100000x128xf32, #tpu.memory_space<hbm>>
    tpu.enqueue_indirect_dma source(%dma_start3A_167 : memref<100000x128xf32, #tpu.memory_space<hbm>>) target(%dma_start3A_157 : memref<128x128xf32, #tpu.memory_space<vmem>>) offsets(%dma_start3A_164 : memref<128xi32, #tpu.memory_space<vmem>>) semaphore(%arg20 : memref<!tpu.dma_semaphore, #tpu.memory_space<semaphore_mem>>)
    %dma_start3A_168 = arith.constant 2 : i32
    %dma_start3A_169 = arith.constant 1 : i32
    %dma_start3A_170 = arith.constant 5 : i32
    %dma_start3A_171 = arith.constant 0 : i32
    %dma_start3A_172 = arith.constant 0 : i32
    %dma_start3A_173 = tpu.memref_slice %arg12[%dma_start3A_170, %dma_start3A_171, %dma_start3A_172] : memref<6x128x128xf32, #tpu.memory_space<vmem>> -> memref<1x128x128xf32, #tpu.memory_space<vmem>>
    %dma_start3A_174 = tpu.memref_squeeze %dma_start3A_173 : memref<1x128x128xf32, #tpu.memory_space<vmem>> -> memref<128x128xf32, #tpu.memory_space<vmem>>
    %dma_start3A_175 = arith.constant 0 : i32
    %dma_start3A_176 = arith.constant 0 : i32
    %dma_start3A_177 = tpu.memref_slice %arg11[%dma_start3A_168, %dma_start3A_175, %dma_start3A_176] : memref<3x2x128xi32, #tpu.memory_space<vmem>> -> memref<1x2x128xi32, #tpu.memory_space<vmem>>
    %dma_start3A_178 = tpu.memref_squeeze %dma_start3A_177 : memref<1x2x128xi32, #tpu.memory_space<vmem>> -> memref<2x128xi32, #tpu.memory_space<vmem>>
    %dma_start3A_179 = arith.constant 0 : i32
    %dma_start3A_180 = tpu.memref_slice %dma_start3A_178[%dma_start3A_169, %dma_start3A_179] : memref<2x128xi32, #tpu.memory_space<vmem>> -> memref<1x128xi32, #tpu.memory_space<vmem>>
    %dma_start3A_181 = tpu.memref_squeeze %dma_start3A_180 : memref<1x128xi32, #tpu.memory_space<vmem>> -> memref<128xi32, #tpu.memory_space<vmem>>
    %dma_start3A_182 = arith.constant 0 : i32
    %dma_start3A_183 = arith.constant 0 : i32
    %dma_start3A_184 = tpu.memref_slice %arg4[%dma_start3A_182, %dma_start3A_183] : memref<100000x128xf32, #tpu.memory_space<hbm>> -> memref<100000x128xf32, #tpu.memory_space<hbm>>
    tpu.enqueue_indirect_dma source(%dma_start3A_184 : memref<100000x128xf32, #tpu.memory_space<hbm>>) target(%dma_start3A_174 : memref<128x128xf32, #tpu.memory_space<vmem>>) offsets(%dma_start3A_181 : memref<128xi32, #tpu.memory_space<vmem>>) semaphore(%arg21 : memref<!tpu.dma_semaphore, #tpu.memory_space<semaphore_mem>>)
    %dma_wait3A_185 = arith.constant 0 : i32
    %dma_wait3A_186 = arith.constant 0 : i32
    %dma_wait3A_187 = arith.constant 0 : i32
    %dma_wait3A_188 = arith.constant 0 : i32
    %dma_wait3A_189 = arith.constant 0 : i32
    %dma_wait3A_190 = tpu.memref_slice %arg12[%dma_wait3A_187, %dma_wait3A_188, %dma_wait3A_189] : memref<6x128x128xf32, #tpu.memory_space<vmem>> -> memref<1x128x128xf32, #tpu.memory_space<vmem>>
    %dma_wait3A_191 = tpu.memref_squeeze %dma_wait3A_190 : memref<1x128x128xf32, #tpu.memory_space<vmem>> -> memref<128x128xf32, #tpu.memory_space<vmem>>
    %dma_wait3A_192 = arith.constant 0 : i32
    %dma_wait3A_193 = arith.constant 0 : i32
    %dma_wait3A_194 = tpu.memref_slice %arg11[%dma_wait3A_185, %dma_wait3A_192, %dma_wait3A_193] : memref<3x2x128xi32, #tpu.memory_space<vmem>> -> memref<1x2x128xi32, #tpu.memory_space<vmem>>
    %dma_wait3A_195 = tpu.memref_squeeze %dma_wait3A_194 : memref<1x2x128xi32, #tpu.memory_space<vmem>> -> memref<2x128xi32, #tpu.memory_space<vmem>>
    %dma_wait3A_196 = arith.constant 0 : i32
    %dma_wait3A_197 = tpu.memref_slice %dma_wait3A_195[%dma_wait3A_186, %dma_wait3A_196] : memref<2x128xi32, #tpu.memory_space<vmem>> -> memref<1x128xi32, #tpu.memory_space<vmem>>
    %dma_wait3A_198 = tpu.memref_squeeze %dma_wait3A_197 : memref<1x128xi32, #tpu.memory_space<vmem>> -> memref<128xi32, #tpu.memory_space<vmem>>
    %dma_wait3A_199 = arith.constant 0 : i32
    %dma_wait3A_200 = arith.constant 0 : i32
    %dma_wait3A_201 = tpu.memref_slice %arg2[%dma_wait3A_199, %dma_wait3A_200] : memref<100000x128xf32, #tpu.memory_space<hbm>> -> memref<100000x128xf32, #tpu.memory_space<hbm>>
    tpu.wait_indirect_dma semaphore(%arg16 : memref<!tpu.dma_semaphore, #tpu.memory_space<semaphore_mem>>) src(%dma_wait3A_201 : memref<100000x128xf32, #tpu.memory_space<hbm>>) dst(%dma_wait3A_191 : memref<128x128xf32, #tpu.memory_space<vmem>>)
    %add3A_202 = arith.constant 0 : i32
    %add3A_203 = arith.addi %mul3A_2, %add3A_202 : i32
    %dma_start3A_204 = arith.constant 0 : i32
    %dma_start3A_205 = arith.constant 0 : i32
    %dma_start3A_206 = arith.constant 0 : i32
    %dma_start3A_207 = tpu.memref_slice %arg12[%dma_start3A_204, %dma_start3A_205, %dma_start3A_206] : memref<6x128x128xf32, #tpu.memory_space<vmem>> -> memref<1x128x128xf32, #tpu.memory_space<vmem>>
    %dma_start3A_208 = tpu.memref_squeeze %dma_start3A_207 : memref<1x128x128xf32, #tpu.memory_space<vmem>> -> memref<128x128xf32, #tpu.memory_space<vmem>>
    %dma_start3A_209 = arith.constant 0 : i32
    %dma_start3A_210 = tpu.memref_slice %arg8[%add3A_203, %dma_start3A_209] : memref<8192x128xf32, #tpu.memory_space<hbm>> -> memref<128x128xf32, #tpu.memory_space<hbm>>
    %dma_start3A_211 = arith.constant 0 : i32
    %dma_start3A_212 = tpu.memref_slice %arg8[%add3A_203, %dma_start3A_211] : memref<8192x128xf32, #tpu.memory_space<hbm>> -> memref<128x128xf32, #tpu.memory_space<hbm>>
    %dma_start3A_213 = arith.constant 0 : i32
    %dma_start3A_214 = arith.constant 0 : i32
    %dma_start3A_215 = tpu.memref_slice %arg12[%dma_start3A_204, %dma_start3A_213, %dma_start3A_214] : memref<6x128x128xf32, #tpu.memory_space<vmem>> -> memref<1x128x128xf32, #tpu.memory_space<vmem>>
    %dma_start3A_216 = tpu.memref_squeeze %dma_start3A_215 : memref<1x128x128xf32, #tpu.memory_space<vmem>> -> memref<128x128xf32, #tpu.memory_space<vmem>>
    tpu.enqueue_dma source(%dma_start3A_216 : memref<128x128xf32, #tpu.memory_space<vmem>>) target(%dma_start3A_212 : memref<128x128xf32, #tpu.memory_space<hbm>>) target_semaphore(%arg22 : memref<!tpu.dma_semaphore, #tpu.memory_space<semaphore_mem>>)
    %dma_wait3A_217 = arith.constant 0 : i32
    %dma_wait3A_218 = arith.constant 1 : i32
    %dma_wait3A_219 = arith.constant 1 : i32
    %dma_wait3A_220 = arith.constant 0 : i32
    %dma_wait3A_221 = arith.constant 0 : i32
    %dma_wait3A_222 = tpu.memref_slice %arg12[%dma_wait3A_219, %dma_wait3A_220, %dma_wait3A_221] : memref<6x128x128xf32, #tpu.memory_space<vmem>> -> memref<1x128x128xf32, #tpu.memory_space<vmem>>
    %dma_wait3A_223 = tpu.memref_squeeze %dma_wait3A_222 : memref<1x128x128xf32, #tpu.memory_space<vmem>> -> memref<128x128xf32, #tpu.memory_space<vmem>>
    %dma_wait3A_224 = arith.constant 0 : i32
    %dma_wait3A_225 = arith.constant 0 : i32
    %dma_wait3A_226 = tpu.memref_slice %arg11[%dma_wait3A_217, %dma_wait3A_224, %dma_wait3A_225] : memref<3x2x128xi32, #tpu.memory_space<vmem>> -> memref<1x2x128xi32, #tpu.memory_space<vmem>>
    %dma_wait3A_227 = tpu.memref_squeeze %dma_wait3A_226 : memref<1x2x128xi32, #tpu.memory_space<vmem>> -> memref<2x128xi32, #tpu.memory_space<vmem>>
    %dma_wait3A_228 = arith.constant 0 : i32
    %dma_wait3A_229 = tpu.memref_slice %dma_wait3A_227[%dma_wait3A_218, %dma_wait3A_228] : memref<2x128xi32, #tpu.memory_space<vmem>> -> memref<1x128xi32, #tpu.memory_space<vmem>>
    %dma_wait3A_230 = tpu.memref_squeeze %dma_wait3A_229 : memref<1x128xi32, #tpu.memory_space<vmem>> -> memref<128xi32, #tpu.memory_space<vmem>>
    %dma_wait3A_231 = arith.constant 0 : i32
    %dma_wait3A_232 = arith.constant 0 : i32
    %dma_wait3A_233 = tpu.memref_slice %arg2[%dma_wait3A_231, %dma_wait3A_232] : memref<100000x128xf32, #tpu.memory_space<hbm>> -> memref<100000x128xf32, #tpu.memory_space<hbm>>
    tpu.wait_indirect_dma semaphore(%arg17 : memref<!tpu.dma_semaphore, #tpu.memory_space<semaphore_mem>>) src(%dma_wait3A_233 : memref<100000x128xf32, #tpu.memory_space<hbm>>) dst(%dma_wait3A_223 : memref<128x128xf32, #tpu.memory_space<vmem>>)
    %add3A_234 = arith.constant 128 : i32
    %add3A_235 = arith.addi %mul3A_2, %add3A_234 : i32
    %dma_start3A_236 = arith.constant 1 : i32
    %dma_start3A_237 = arith.constant 0 : i32
    %dma_start3A_238 = arith.constant 0 : i32
    %dma_start3A_239 = tpu.memref_slice %arg12[%dma_start3A_236, %dma_start3A_237, %dma_start3A_238] : memref<6x128x128xf32, #tpu.memory_space<vmem>> -> memref<1x128x128xf32, #tpu.memory_space<vmem>>
    %dma_start3A_240 = tpu.memref_squeeze %dma_start3A_239 : memref<1x128x128xf32, #tpu.memory_space<vmem>> -> memref<128x128xf32, #tpu.memory_space<vmem>>
    %dma_start3A_241 = arith.constant 0 : i32
    %dma_start3A_242 = tpu.memref_slice %arg8[%add3A_235, %dma_start3A_241] : memref<8192x128xf32, #tpu.memory_space<hbm>> -> memref<128x128xf32, #tpu.memory_space<hbm>>
    %dma_start3A_243 = arith.constant 0 : i32
    %dma_start3A_244 = tpu.memref_slice %arg8[%add3A_235, %dma_start3A_243] : memref<8192x128xf32, #tpu.memory_space<hbm>> -> memref<128x128xf32, #tpu.memory_space<hbm>>
    %dma_start3A_245 = arith.constant 0 : i32
    %dma_start3A_246 = arith.constant 0 : i32
    %dma_start3A_247 = tpu.memref_slice %arg12[%dma_start3A_236, %dma_start3A_245, %dma_start3A_246] : memref<6x128x128xf32, #tpu.memory_space<vmem>> -> memref<1x128x128xf32, #tpu.memory_space<vmem>>
    %dma_start3A_248 = tpu.memref_squeeze %dma_start3A_247 : memref<1x128x128xf32, #tpu.memory_space<vmem>> -> memref<128x128xf32, #tpu.memory_space<vmem>>
    tpu.enqueue_dma source(%dma_start3A_248 : memref<128x128xf32, #tpu.memory_space<vmem>>) target(%dma_start3A_244 : memref<128x128xf32, #tpu.memory_space<hbm>>) target_semaphore(%arg23 : memref<!tpu.dma_semaphore, #tpu.memory_space<semaphore_mem>>)
    %dma_wait3A_249 = arith.constant 1 : i32
    %dma_wait3A_250 = arith.constant 0 : i32
    %dma_wait3A_251 = arith.constant 2 : i32
    %dma_wait3A_252 = arith.constant 0 : i32
    %dma_wait3A_253 = arith.constant 0 : i32
    %dma_wait3A_254 = tpu.memref_slice %arg12[%dma_wait3A_251, %dma_wait3A_252, %dma_wait3A_253] : memref<6x128x128xf32, #tpu.memory_space<vmem>> -> memref<1x128x128xf32, #tpu.memory_space<vmem>>
    %dma_wait3A_255 = tpu.memref_squeeze %dma_wait3A_254 : memref<1x128x128xf32, #tpu.memory_space<vmem>> -> memref<128x128xf32, #tpu.memory_space<vmem>>
    %dma_wait3A_256 = arith.constant 0 : i32
    %dma_wait3A_257 = arith.constant 0 : i32
    %dma_wait3A_258 = tpu.memref_slice %arg11[%dma_wait3A_249, %dma_wait3A_256, %dma_wait3A_257] : memref<3x2x128xi32, #tpu.memory_space<vmem>> -> memref<1x2x128xi32, #tpu.memory_space<vmem>>
    %dma_wait3A_259 = tpu.memref_squeeze %dma_wait3A_258 : memref<1x2x128xi32, #tpu.memory_space<vmem>> -> memref<2x128xi32, #tpu.memory_space<vmem>>
    %dma_wait3A_260 = arith.constant 0 : i32
    %dma_wait3A_261 = tpu.memref_slice %dma_wait3A_259[%dma_wait3A_250, %dma_wait3A_260] : memref<2x128xi32, #tpu.memory_space<vmem>> -> memref<1x128xi32, #tpu.memory_space<vmem>>
    %dma_wait3A_262 = tpu.memref_squeeze %dma_wait3A_261 : memref<1x128xi32, #tpu.memory_space<vmem>> -> memref<128xi32, #tpu.memory_space<vmem>>
    %dma_wait3A_263 = arith.constant 0 : i32
    %dma_wait3A_264 = arith.constant 0 : i32
    %dma_wait3A_265 = tpu.memref_slice %arg3[%dma_wait3A_263, %dma_wait3A_264] : memref<100000x128xf32, #tpu.memory_space<hbm>> -> memref<100000x128xf32, #tpu.memory_space<hbm>>
    tpu.wait_indirect_dma semaphore(%arg18 : memref<!tpu.dma_semaphore, #tpu.memory_space<semaphore_mem>>) src(%dma_wait3A_265 : memref<100000x128xf32, #tpu.memory_space<hbm>>) dst(%dma_wait3A_255 : memref<128x128xf32, #tpu.memory_space<vmem>>)
    %add3A_266 = arith.constant 0 : i32
    %add3A_267 = arith.addi %mul3A_2, %add3A_266 : i32
    %dma_start3A_268 = arith.constant 2 : i32
    %dma_start3A_269 = arith.constant 0 : i32
    %dma_start3A_270 = arith.constant 0 : i32
    %dma_start3A_271 = tpu.memref_slice %arg12[%dma_start3A_268, %dma_start3A_269, %dma_start3A_270] : memref<6x128x128xf32, #tpu.memory_space<vmem>> -> memref<1x128x128xf32, #tpu.memory_space<vmem>>
    %dma_start3A_272 = tpu.memref_squeeze %dma_start3A_271 : memref<1x128x128xf32, #tpu.memory_space<vmem>> -> memref<128x128xf32, #tpu.memory_space<vmem>>
    %dma_start3A_273 = arith.constant 0 : i32
    %dma_start3A_274 = tpu.memref_slice %arg9[%add3A_267, %dma_start3A_273] : memref<8192x128xf32, #tpu.memory_space<hbm>> -> memref<128x128xf32, #tpu.memory_space<hbm>>
    %dma_start3A_275 = arith.constant 0 : i32
    %dma_start3A_276 = tpu.memref_slice %arg9[%add3A_267, %dma_start3A_275] : memref<8192x128xf32, #tpu.memory_space<hbm>> -> memref<128x128xf32, #tpu.memory_space<hbm>>
    %dma_start3A_277 = arith.constant 0 : i32
    %dma_start3A_278 = arith.constant 0 : i32
    %dma_start3A_279 = tpu.memref_slice %arg12[%dma_start3A_268, %dma_start3A_277, %dma_start3A_278] : memref<6x128x128xf32, #tpu.memory_space<vmem>> -> memref<1x128x128xf32, #tpu.memory_space<vmem>>
    %dma_start3A_280 = tpu.memref_squeeze %dma_start3A_279 : memref<1x128x128xf32, #tpu.memory_space<vmem>> -> memref<128x128xf32, #tpu.memory_space<vmem>>
    tpu.enqueue_dma source(%dma_start3A_280 : memref<128x128xf32, #tpu.memory_space<vmem>>) target(%dma_start3A_276 : memref<128x128xf32, #tpu.memory_space<hbm>>) target_semaphore(%arg24 : memref<!tpu.dma_semaphore, #tpu.memory_space<semaphore_mem>>)
    %dma_wait3A_281 = arith.constant 1 : i32
    %dma_wait3A_282 = arith.constant 1 : i32
    %dma_wait3A_283 = arith.constant 3 : i32
    %dma_wait3A_284 = arith.constant 0 : i32
    %dma_wait3A_285 = arith.constant 0 : i32
    %dma_wait3A_286 = tpu.memref_slice %arg12[%dma_wait3A_283, %dma_wait3A_284, %dma_wait3A_285] : memref<6x128x128xf32, #tpu.memory_space<vmem>> -> memref<1x128x128xf32, #tpu.memory_space<vmem>>
    %dma_wait3A_287 = tpu.memref_squeeze %dma_wait3A_286 : memref<1x128x128xf32, #tpu.memory_space<vmem>> -> memref<128x128xf32, #tpu.memory_space<vmem>>
    %dma_wait3A_288 = arith.constant 0 : i32
    %dma_wait3A_289 = arith.constant 0 : i32
    %dma_wait3A_290 = tpu.memref_slice %arg11[%dma_wait3A_281, %dma_wait3A_288, %dma_wait3A_289] : memref<3x2x128xi32, #tpu.memory_space<vmem>> -> memref<1x2x128xi32, #tpu.memory_space<vmem>>
    %dma_wait3A_291 = tpu.memref_squeeze %dma_wait3A_290 : memref<1x2x128xi32, #tpu.memory_space<vmem>> -> memref<2x128xi32, #tpu.memory_space<vmem>>
    %dma_wait3A_292 = arith.constant 0 : i32
    %dma_wait3A_293 = tpu.memref_slice %dma_wait3A_291[%dma_wait3A_282, %dma_wait3A_292] : memref<2x128xi32, #tpu.memory_space<vmem>> -> memref<1x128xi32, #tpu.memory_space<vmem>>
    %dma_wait3A_294 = tpu.memref_squeeze %dma_wait3A_293 : memref<1x128xi32, #tpu.memory_space<vmem>> -> memref<128xi32, #tpu.memory_space<vmem>>
    %dma_wait3A_295 = arith.constant 0 : i32
    %dma_wait3A_296 = arith.constant 0 : i32
    %dma_wait3A_297 = tpu.memref_slice %arg3[%dma_wait3A_295, %dma_wait3A_296] : memref<100000x128xf32, #tpu.memory_space<hbm>> -> memref<100000x128xf32, #tpu.memory_space<hbm>>
    tpu.wait_indirect_dma semaphore(%arg19 : memref<!tpu.dma_semaphore, #tpu.memory_space<semaphore_mem>>) src(%dma_wait3A_297 : memref<100000x128xf32, #tpu.memory_space<hbm>>) dst(%dma_wait3A_287 : memref<128x128xf32, #tpu.memory_space<vmem>>)
    %add3A_298 = arith.constant 128 : i32
    %add3A_299 = arith.addi %mul3A_2, %add3A_298 : i32
    %dma_start3A_300 = arith.constant 3 : i32
    %dma_start3A_301 = arith.constant 0 : i32
    %dma_start3A_302 = arith.constant 0 : i32
    %dma_start3A_303 = tpu.memref_slice %arg12[%dma_start3A_300, %dma_start3A_301, %dma_start3A_302] : memref<6x128x128xf32, #tpu.memory_space<vmem>> -> memref<1x128x128xf32, #tpu.memory_space<vmem>>
    %dma_start3A_304 = tpu.memref_squeeze %dma_start3A_303 : memref<1x128x128xf32, #tpu.memory_space<vmem>> -> memref<128x128xf32, #tpu.memory_space<vmem>>
    %dma_start3A_305 = arith.constant 0 : i32
    %dma_start3A_306 = tpu.memref_slice %arg9[%add3A_299, %dma_start3A_305] : memref<8192x128xf32, #tpu.memory_space<hbm>> -> memref<128x128xf32, #tpu.memory_space<hbm>>
    %dma_start3A_307 = arith.constant 0 : i32
    %dma_start3A_308 = tpu.memref_slice %arg9[%add3A_299, %dma_start3A_307] : memref<8192x128xf32, #tpu.memory_space<hbm>> -> memref<128x128xf32, #tpu.memory_space<hbm>>
    %dma_start3A_309 = arith.constant 0 : i32
    %dma_start3A_310 = arith.constant 0 : i32
    %dma_start3A_311 = tpu.memref_slice %arg12[%dma_start3A_300, %dma_start3A_309, %dma_start3A_310] : memref<6x128x128xf32, #tpu.memory_space<vmem>> -> memref<1x128x128xf32, #tpu.memory_space<vmem>>
    %dma_start3A_312 = tpu.memref_squeeze %dma_start3A_311 : memref<1x128x128xf32, #tpu.memory_space<vmem>> -> memref<128x128xf32, #tpu.memory_space<vmem>>
    tpu.enqueue_dma source(%dma_start3A_312 : memref<128x128xf32, #tpu.memory_space<vmem>>) target(%dma_start3A_308 : memref<128x128xf32, #tpu.memory_space<hbm>>) target_semaphore(%arg25 : memref<!tpu.dma_semaphore, #tpu.memory_space<semaphore_mem>>)
    %dma_wait3A_313 = arith.constant 2 : i32
    %dma_wait3A_314 = arith.constant 0 : i32
    %dma_wait3A_315 = arith.constant 4 : i32
    %dma_wait3A_316 = arith.constant 0 : i32
    %dma_wait3A_317 = arith.constant 0 : i32
    %dma_wait3A_318 = tpu.memref_slice %arg12[%dma_wait3A_315, %dma_wait3A_316, %dma_wait3A_317] : memref<6x128x128xf32, #tpu.memory_space<vmem>> -> memref<1x128x128xf32, #tpu.memory_space<vmem>>
    %dma_wait3A_319 = tpu.memref_squeeze %dma_wait3A_318 : memref<1x128x128xf32, #tpu.memory_space<vmem>> -> memref<128x128xf32, #tpu.memory_space<vmem>>
    %dma_wait3A_320 = arith.constant 0 : i32
    %dma_wait3A_321 = arith.constant 0 : i32
    %dma_wait3A_322 = tpu.memref_slice %arg11[%dma_wait3A_313, %dma_wait3A_320, %dma_wait3A_321] : memref<3x2x128xi32, #tpu.memory_space<vmem>> -> memref<1x2x128xi32, #tpu.memory_space<vmem>>
    %dma_wait3A_323 = tpu.memref_squeeze %dma_wait3A_322 : memref<1x2x128xi32, #tpu.memory_space<vmem>> -> memref<2x128xi32, #tpu.memory_space<vmem>>
    %dma_wait3A_324 = arith.constant 0 : i32
    %dma_wait3A_325 = tpu.memref_slice %dma_wait3A_323[%dma_wait3A_314, %dma_wait3A_324] : memref<2x128xi32, #tpu.memory_space<vmem>> -> memref<1x128xi32, #tpu.memory_space<vmem>>
    %dma_wait3A_326 = tpu.memref_squeeze %dma_wait3A_325 : memref<1x128xi32, #tpu.memory_space<vmem>> -> memref<128xi32, #tpu.memory_space<vmem>>
    %dma_wait3A_327 = arith.constant 0 : i32
    %dma_wait3A_328 = arith.constant 0 : i32
    %dma_wait3A_329 = tpu.memref_slice %arg4[%dma_wait3A_327, %dma_wait3A_328] : memref<100000x128xf32, #tpu.memory_space<hbm>> -> memref<100000x128xf32, #tpu.memory_space<hbm>>
    tpu.wait_indirect_dma semaphore(%arg20 : memref<!tpu.dma_semaphore, #tpu.memory_space<semaphore_mem>>) src(%dma_wait3A_329 : memref<100000x128xf32, #tpu.memory_space<hbm>>) dst(%dma_wait3A_319 : memref<128x128xf32, #tpu.memory_space<vmem>>)
    %add3A_330 = arith.constant 0 : i32
    %add3A_331 = arith.addi %mul3A_2, %add3A_330 : i32
    %dma_start3A_332 = arith.constant 4 : i32
    %dma_start3A_333 = arith.constant 0 : i32
    %dma_start3A_334 = arith.constant 0 : i32
    %dma_start3A_335 = tpu.memref_slice %arg12[%dma_start3A_332, %dma_start3A_333, %dma_start3A_334] : memref<6x128x128xf32, #tpu.memory_space<vmem>> -> memref<1x128x128xf32, #tpu.memory_space<vmem>>
    %dma_start3A_336 = tpu.memref_squeeze %dma_start3A_335 : memref<1x128x128xf32, #tpu.memory_space<vmem>> -> memref<128x128xf32, #tpu.memory_space<vmem>>
    %dma_start3A_337 = arith.constant 0 : i32
    %dma_start3A_338 = tpu.memref_slice %arg10[%add3A_331, %dma_start3A_337] : memref<8192x128xf32, #tpu.memory_space<hbm>> -> memref<128x128xf32, #tpu.memory_space<hbm>>
    %dma_start3A_339 = arith.constant 0 : i32
    %dma_start3A_340 = tpu.memref_slice %arg10[%add3A_331, %dma_start3A_339] : memref<8192x128xf32, #tpu.memory_space<hbm>> -> memref<128x128xf32, #tpu.memory_space<hbm>>
    %dma_start3A_341 = arith.constant 0 : i32
    %dma_start3A_342 = arith.constant 0 : i32
    %dma_start3A_343 = tpu.memref_slice %arg12[%dma_start3A_332, %dma_start3A_341, %dma_start3A_342] : memref<6x128x128xf32, #tpu.memory_space<vmem>> -> memref<1x128x128xf32, #tpu.memory_space<vmem>>
    %dma_start3A_344 = tpu.memref_squeeze %dma_start3A_343 : memref<1x128x128xf32, #tpu.memory_space<vmem>> -> memref<128x128xf32, #tpu.memory_space<vmem>>
    tpu.enqueue_dma source(%dma_start3A_344 : memref<128x128xf32, #tpu.memory_space<vmem>>) target(%dma_start3A_340 : memref<128x128xf32, #tpu.memory_space<hbm>>) target_semaphore(%arg26 : memref<!tpu.dma_semaphore, #tpu.memory_space<semaphore_mem>>)
    %dma_wait3A_345 = arith.constant 2 : i32
    %dma_wait3A_346 = arith.constant 1 : i32
    %dma_wait3A_347 = arith.constant 5 : i32
    %dma_wait3A_348 = arith.constant 0 : i32
    %dma_wait3A_349 = arith.constant 0 : i32
    %dma_wait3A_350 = tpu.memref_slice %arg12[%dma_wait3A_347, %dma_wait3A_348, %dma_wait3A_349] : memref<6x128x128xf32, #tpu.memory_space<vmem>> -> memref<1x128x128xf32, #tpu.memory_space<vmem>>
    %dma_wait3A_351 = tpu.memref_squeeze %dma_wait3A_350 : memref<1x128x128xf32, #tpu.memory_space<vmem>> -> memref<128x128xf32, #tpu.memory_space<vmem>>
    %dma_wait3A_352 = arith.constant 0 : i32
    %dma_wait3A_353 = arith.constant 0 : i32
    %dma_wait3A_354 = tpu.memref_slice %arg11[%dma_wait3A_345, %dma_wait3A_352, %dma_wait3A_353] : memref<3x2x128xi32, #tpu.memory_space<vmem>> -> memref<1x2x128xi32, #tpu.memory_space<vmem>>
    %dma_wait3A_355 = tpu.memref_squeeze %dma_wait3A_354 : memref<1x2x128xi32, #tpu.memory_space<vmem>> -> memref<2x128xi32, #tpu.memory_space<vmem>>
    %dma_wait3A_356 = arith.constant 0 : i32
    %dma_wait3A_357 = tpu.memref_slice %dma_wait3A_355[%dma_wait3A_346, %dma_wait3A_356] : memref<2x128xi32, #tpu.memory_space<vmem>> -> memref<1x128xi32, #tpu.memory_space<vmem>>
    %dma_wait3A_358 = tpu.memref_squeeze %dma_wait3A_357 : memref<1x128xi32, #tpu.memory_space<vmem>> -> memref<128xi32, #tpu.memory_space<vmem>>
    %dma_wait3A_359 = arith.constant 0 : i32
    %dma_wait3A_360 = arith.constant 0 : i32
    %dma_wait3A_361 = tpu.memref_slice %arg4[%dma_wait3A_359, %dma_wait3A_360] : memref<100000x128xf32, #tpu.memory_space<hbm>> -> memref<100000x128xf32, #tpu.memory_space<hbm>>
    tpu.wait_indirect_dma semaphore(%arg21 : memref<!tpu.dma_semaphore, #tpu.memory_space<semaphore_mem>>) src(%dma_wait3A_361 : memref<100000x128xf32, #tpu.memory_space<hbm>>) dst(%dma_wait3A_351 : memref<128x128xf32, #tpu.memory_space<vmem>>)
    %add3A_362 = arith.constant 128 : i32
    %add3A_363 = arith.addi %mul3A_2, %add3A_362 : i32
    %dma_start3A_364 = arith.constant 5 : i32
    %dma_start3A_365 = arith.constant 0 : i32
    %dma_start3A_366 = arith.constant 0 : i32
    %dma_start3A_367 = tpu.memref_slice %arg12[%dma_start3A_364, %dma_start3A_365, %dma_start3A_366] : memref<6x128x128xf32, #tpu.memory_space<vmem>> -> memref<1x128x128xf32, #tpu.memory_space<vmem>>
    %dma_start3A_368 = tpu.memref_squeeze %dma_start3A_367 : memref<1x128x128xf32, #tpu.memory_space<vmem>> -> memref<128x128xf32, #tpu.memory_space<vmem>>
    %dma_start3A_369 = arith.constant 0 : i32
    %dma_start3A_370 = tpu.memref_slice %arg10[%add3A_363, %dma_start3A_369] : memref<8192x128xf32, #tpu.memory_space<hbm>> -> memref<128x128xf32, #tpu.memory_space<hbm>>
    %dma_start3A_371 = arith.constant 0 : i32
    %dma_start3A_372 = tpu.memref_slice %arg10[%add3A_363, %dma_start3A_371] : memref<8192x128xf32, #tpu.memory_space<hbm>> -> memref<128x128xf32, #tpu.memory_space<hbm>>
    %dma_start3A_373 = arith.constant 0 : i32
    %dma_start3A_374 = arith.constant 0 : i32
    %dma_start3A_375 = tpu.memref_slice %arg12[%dma_start3A_364, %dma_start3A_373, %dma_start3A_374] : memref<6x128x128xf32, #tpu.memory_space<vmem>> -> memref<1x128x128xf32, #tpu.memory_space<vmem>>
    %dma_start3A_376 = tpu.memref_squeeze %dma_start3A_375 : memref<1x128x128xf32, #tpu.memory_space<vmem>> -> memref<128x128xf32, #tpu.memory_space<vmem>>
    tpu.enqueue_dma source(%dma_start3A_376 : memref<128x128xf32, #tpu.memory_space<vmem>>) target(%dma_start3A_372 : memref<128x128xf32, #tpu.memory_space<hbm>>) target_semaphore(%arg27 : memref<!tpu.dma_semaphore, #tpu.memory_space<semaphore_mem>>)
    %dma_wait3A_377 = arith.constant 0 : i32
    %dma_wait3A_378 = arith.constant 0 : i32
    %dma_wait3A_379 = arith.constant 0 : i32
    %dma_wait3A_380 = tpu.memref_slice %arg12[%dma_wait3A_377, %dma_wait3A_378, %dma_wait3A_379] : memref<6x128x128xf32, #tpu.memory_space<vmem>> -> memref<1x128x128xf32, #tpu.memory_space<vmem>>
    %dma_wait3A_381 = tpu.memref_squeeze %dma_wait3A_380 : memref<1x128x128xf32, #tpu.memory_space<vmem>> -> memref<128x128xf32, #tpu.memory_space<vmem>>
    %dma_wait3A_382 = arith.constant 0 : i32
    %dma_wait3A_383 = tpu.memref_slice %arg8[%add3A_203, %dma_wait3A_382] : memref<8192x128xf32, #tpu.memory_space<hbm>> -> memref<128x128xf32, #tpu.memory_space<hbm>>
    %dma_wait3A_384 = arith.constant 0 : i32
    %dma_wait3A_385 = tpu.memref_slice %arg8[%add3A_203, %dma_wait3A_384] : memref<8192x128xf32, #tpu.memory_space<hbm>> -> memref<128x128xf32, #tpu.memory_space<hbm>>
    %dma_wait3A_386 = arith.constant 0 : i32
    %dma_wait3A_387 = arith.constant 0 : i32
    %dma_wait3A_388 = tpu.memref_slice %arg12[%dma_wait3A_377, %dma_wait3A_386, %dma_wait3A_387] : memref<6x128x128xf32, #tpu.memory_space<vmem>> -> memref<1x128x128xf32, #tpu.memory_space<vmem>>
    %dma_wait3A_389 = tpu.memref_squeeze %dma_wait3A_388 : memref<1x128x128xf32, #tpu.memory_space<vmem>> -> memref<128x128xf32, #tpu.memory_space<vmem>>
    tpu.wait_dma2 semaphore(%arg22 : memref<!tpu.dma_semaphore, #tpu.memory_space<semaphore_mem>>) src(%dma_wait3A_389 : memref<128x128xf32, #tpu.memory_space<vmem>>) dst(%dma_wait3A_385 : memref<128x128xf32, #tpu.memory_space<hbm>>)
    %dma_wait3A_390 = arith.constant 1 : i32
    %dma_wait3A_391 = arith.constant 0 : i32
    %dma_wait3A_392 = arith.constant 0 : i32
    %dma_wait3A_393 = tpu.memref_slice %arg12[%dma_wait3A_390, %dma_wait3A_391, %dma_wait3A_392] : memref<6x128x128xf32, #tpu.memory_space<vmem>> -> memref<1x128x128xf32, #tpu.memory_space<vmem>>
    %dma_wait3A_394 = tpu.memref_squeeze %dma_wait3A_393 : memref<1x128x128xf32, #tpu.memory_space<vmem>> -> memref<128x128xf32, #tpu.memory_space<vmem>>
    %dma_wait3A_395 = arith.constant 0 : i32
    %dma_wait3A_396 = tpu.memref_slice %arg8[%add3A_235, %dma_wait3A_395] : memref<8192x128xf32, #tpu.memory_space<hbm>> -> memref<128x128xf32, #tpu.memory_space<hbm>>
    %dma_wait3A_397 = arith.constant 0 : i32
    %dma_wait3A_398 = tpu.memref_slice %arg8[%add3A_235, %dma_wait3A_397] : memref<8192x128xf32, #tpu.memory_space<hbm>> -> memref<128x128xf32, #tpu.memory_space<hbm>>
    %dma_wait3A_399 = arith.constant 0 : i32
    %dma_wait3A_400 = arith.constant 0 : i32
    %dma_wait3A_401 = tpu.memref_slice %arg12[%dma_wait3A_390, %dma_wait3A_399, %dma_wait3A_400] : memref<6x128x128xf32, #tpu.memory_space<vmem>> -> memref<1x128x128xf32, #tpu.memory_space<vmem>>
    %dma_wait3A_402 = tpu.memref_squeeze %dma_wait3A_401 : memref<1x128x128xf32, #tpu.memory_space<vmem>> -> memref<128x128xf32, #tpu.memory_space<vmem>>
    tpu.wait_dma2 semaphore(%arg23 : memref<!tpu.dma_semaphore, #tpu.memory_space<semaphore_mem>>) src(%dma_wait3A_402 : memref<128x128xf32, #tpu.memory_space<vmem>>) dst(%dma_wait3A_398 : memref<128x128xf32, #tpu.memory_space<hbm>>)
    %dma_wait3A_403 = arith.constant 2 : i32
    %dma_wait3A_404 = arith.constant 0 : i32
    %dma_wait3A_405 = arith.constant 0 : i32
    %dma_wait3A_406 = tpu.memref_slice %arg12[%dma_wait3A_403, %dma_wait3A_404, %dma_wait3A_405] : memref<6x128x128xf32, #tpu.memory_space<vmem>> -> memref<1x128x128xf32, #tpu.memory_space<vmem>>
    %dma_wait3A_407 = tpu.memref_squeeze %dma_wait3A_406 : memref<1x128x128xf32, #tpu.memory_space<vmem>> -> memref<128x128xf32, #tpu.memory_space<vmem>>
    %dma_wait3A_408 = arith.constant 0 : i32
    %dma_wait3A_409 = tpu.memref_slice %arg9[%add3A_267, %dma_wait3A_408] : memref<8192x128xf32, #tpu.memory_space<hbm>> -> memref<128x128xf32, #tpu.memory_space<hbm>>
    %dma_wait3A_410 = arith.constant 0 : i32
    %dma_wait3A_411 = tpu.memref_slice %arg9[%add3A_267, %dma_wait3A_410] : memref<8192x128xf32, #tpu.memory_space<hbm>> -> memref<128x128xf32, #tpu.memory_space<hbm>>
    %dma_wait3A_412 = arith.constant 0 : i32
    %dma_wait3A_413 = arith.constant 0 : i32
    %dma_wait3A_414 = tpu.memref_slice %arg12[%dma_wait3A_403, %dma_wait3A_412, %dma_wait3A_413] : memref<6x128x128xf32, #tpu.memory_space<vmem>> -> memref<1x128x128xf32, #tpu.memory_space<vmem>>
    %dma_wait3A_415 = tpu.memref_squeeze %dma_wait3A_414 : memref<1x128x128xf32, #tpu.memory_space<vmem>> -> memref<128x128xf32, #tpu.memory_space<vmem>>
    tpu.wait_dma2 semaphore(%arg24 : memref<!tpu.dma_semaphore, #tpu.memory_space<semaphore_mem>>) src(%dma_wait3A_415 : memref<128x128xf32, #tpu.memory_space<vmem>>) dst(%dma_wait3A_411 : memref<128x128xf32, #tpu.memory_space<hbm>>)
    %dma_wait3A_416 = arith.constant 3 : i32
    %dma_wait3A_417 = arith.constant 0 : i32
    %dma_wait3A_418 = arith.constant 0 : i32
    %dma_wait3A_419 = tpu.memref_slice %arg12[%dma_wait3A_416, %dma_wait3A_417, %dma_wait3A_418] : memref<6x128x128xf32, #tpu.memory_space<vmem>> -> memref<1x128x128xf32, #tpu.memory_space<vmem>>
    %dma_wait3A_420 = tpu.memref_squeeze %dma_wait3A_419 : memref<1x128x128xf32, #tpu.memory_space<vmem>> -> memref<128x128xf32, #tpu.memory_space<vmem>>
    %dma_wait3A_421 = arith.constant 0 : i32
    %dma_wait3A_422 = tpu.memref_slice %arg9[%add3A_299, %dma_wait3A_421] : memref<8192x128xf32, #tpu.memory_space<hbm>> -> memref<128x128xf32, #tpu.memory_space<hbm>>
    %dma_wait3A_423 = arith.constant 0 : i32
    %dma_wait3A_424 = tpu.memref_slice %arg9[%add3A_299, %dma_wait3A_423] : memref<8192x128xf32, #tpu.memory_space<hbm>> -> memref<128x128xf32, #tpu.memory_space<hbm>>
    %dma_wait3A_425 = arith.constant 0 : i32
    %dma_wait3A_426 = arith.constant 0 : i32
    %dma_wait3A_427 = tpu.memref_slice %arg12[%dma_wait3A_416, %dma_wait3A_425, %dma_wait3A_426] : memref<6x128x128xf32, #tpu.memory_space<vmem>> -> memref<1x128x128xf32, #tpu.memory_space<vmem>>
    %dma_wait3A_428 = tpu.memref_squeeze %dma_wait3A_427 : memref<1x128x128xf32, #tpu.memory_space<vmem>> -> memref<128x128xf32, #tpu.memory_space<vmem>>
    tpu.wait_dma2 semaphore(%arg25 : memref<!tpu.dma_semaphore, #tpu.memory_space<semaphore_mem>>) src(%dma_wait3A_428 : memref<128x128xf32, #tpu.memory_space<vmem>>) dst(%dma_wait3A_424 : memref<128x128xf32, #tpu.memory_space<hbm>>)
    %dma_wait3A_429 = arith.constant 4 : i32
    %dma_wait3A_430 = arith.constant 0 : i32
    %dma_wait3A_431 = arith.constant 0 : i32
    %dma_wait3A_432 = tpu.memref_slice %arg12[%dma_wait3A_429, %dma_wait3A_430, %dma_wait3A_431] : memref<6x128x128xf32, #tpu.memory_space<vmem>> -> memref<1x128x128xf32, #tpu.memory_space<vmem>>
    %dma_wait3A_433 = tpu.memref_squeeze %dma_wait3A_432 : memref<1x128x128xf32, #tpu.memory_space<vmem>> -> memref<128x128xf32, #tpu.memory_space<vmem>>
    %dma_wait3A_434 = arith.constant 0 : i32
    %dma_wait3A_435 = tpu.memref_slice %arg10[%add3A_331, %dma_wait3A_434] : memref<8192x128xf32, #tpu.memory_space<hbm>> -> memref<128x128xf32, #tpu.memory_space<hbm>>
    %dma_wait3A_436 = arith.constant 0 : i32
    %dma_wait3A_437 = tpu.memref_slice %arg10[%add3A_331, %dma_wait3A_436] : memref<8192x128xf32, #tpu.memory_space<hbm>> -> memref<128x128xf32, #tpu.memory_space<hbm>>
    %dma_wait3A_438 = arith.constant 0 : i32
    %dma_wait3A_439 = arith.constant 0 : i32
    %dma_wait3A_440 = tpu.memref_slice %arg12[%dma_wait3A_429, %dma_wait3A_438, %dma_wait3A_439] : memref<6x128x128xf32, #tpu.memory_space<vmem>> -> memref<1x128x128xf32, #tpu.memory_space<vmem>>
    %dma_wait3A_441 = tpu.memref_squeeze %dma_wait3A_440 : memref<1x128x128xf32, #tpu.memory_space<vmem>> -> memref<128x128xf32, #tpu.memory_space<vmem>>
    tpu.wait_dma2 semaphore(%arg26 : memref<!tpu.dma_semaphore, #tpu.memory_space<semaphore_mem>>) src(%dma_wait3A_441 : memref<128x128xf32, #tpu.memory_space<vmem>>) dst(%dma_wait3A_437 : memref<128x128xf32, #tpu.memory_space<hbm>>)
    %dma_wait3A_442 = arith.constant 5 : i32
    %dma_wait3A_443 = arith.constant 0 : i32
    %dma_wait3A_444 = arith.constant 0 : i32
    %dma_wait3A_445 = tpu.memref_slice %arg12[%dma_wait3A_442, %dma_wait3A_443, %dma_wait3A_444] : memref<6x128x128xf32, #tpu.memory_space<vmem>> -> memref<1x128x128xf32, #tpu.memory_space<vmem>>
    %dma_wait3A_446 = tpu.memref_squeeze %dma_wait3A_445 : memref<1x128x128xf32, #tpu.memory_space<vmem>> -> memref<128x128xf32, #tpu.memory_space<vmem>>
    %dma_wait3A_447 = arith.constant 0 : i32
    %dma_wait3A_448 = tpu.memref_slice %arg10[%add3A_363, %dma_wait3A_447] : memref<8192x128xf32, #tpu.memory_space<hbm>> -> memref<128x128xf32, #tpu.memory_space<hbm>>
    %dma_wait3A_449 = arith.constant 0 : i32
    %dma_wait3A_450 = tpu.memref_slice %arg10[%add3A_363, %dma_wait3A_449] : memref<8192x128xf32, #tpu.memory_space<hbm>> -> memref<128x128xf32, #tpu.memory_space<hbm>>
    %dma_wait3A_451 = arith.constant 0 : i32
    %dma_wait3A_452 = arith.constant 0 : i32
    %dma_wait3A_453 = tpu.memref_slice %arg12[%dma_wait3A_442, %dma_wait3A_451, %dma_wait3A_452] : memref<6x128x128xf32, #tpu.memory_space<vmem>> -> memref<1x128x128xf32, #tpu.memory_space<vmem>>
    %dma_wait3A_454 = tpu.memref_squeeze %dma_wait3A_453 : memref<1x128x128xf32, #tpu.memory_space<vmem>> -> memref<128x128xf32, #tpu.memory_space<vmem>>
    tpu.wait_dma2 semaphore(%arg27 : memref<!tpu.dma_semaphore, #tpu.memory_space<semaphore_mem>>) src(%dma_wait3A_454 : memref<128x128xf32, #tpu.memory_space<vmem>>) dst(%dma_wait3A_450 : memref<128x128xf32, #tpu.memory_space<hbm>>)
    return
  }
}

module attributes {stable_mosaic.version = 14 : i64} {
  func.func @_mlp_body(%arg0: i32, %arg1: memref<2048x128xf32, #tpu.memory_space<vmem>>, %arg2: memref<2048x128xf32, #tpu.memory_space<vmem>>, %arg3: memref<2048x128xf32, #tpu.memory_space<vmem>>, %arg4: memref<384x128xf32, #tpu.memory_space<vmem>>, %arg5: memref<128xf32, #tpu.memory_space<vmem>>, %arg6: memref<128x4xf32, #tpu.memory_space<vmem>>, %arg7: memref<4xf32, #tpu.memory_space<vmem>>, %arg8: memref<4x2048xf32, #tpu.memory_space<vmem>>) attributes {dimension_semantics = [#tpu.dimension_semantics<arbitrary>], iteration_bounds = array<i64: 4>, scalar_prefetch = 0 : i64, scratch_operands = 0 : i64, tpu.core_type = #tpu.core_type<tc>, window_params = [{transform_indices = @transform_0, window_bounds = array<i64: 2048, 128>}, {transform_indices = @transform_1, window_bounds = array<i64: 2048, 128>}, {transform_indices = @transform_2, window_bounds = array<i64: 2048, 128>}, {pipeline_mode = #tpu.pipeline_mode<synchronous>, transform_indices = @transform_3, window_bounds = array<i64: 384, 128>}, {pipeline_mode = #tpu.pipeline_mode<synchronous>, transform_indices = @transform_4, window_bounds = array<i64: 128>}, {pipeline_mode = #tpu.pipeline_mode<synchronous>, transform_indices = @transform_5, window_bounds = array<i64: 128, 4>}, {pipeline_mode = #tpu.pipeline_mode<synchronous>, transform_indices = @transform_6, window_bounds = array<i64: 4>}, {transform_indices = @transform_7, window_bounds = array<i64: 4, 2048>}]} {
    %get3A = arith.constant 0 : index
    %get3A_0 = arith.constant 0 : index
    %get3A_1 = vector.load %arg1[%get3A, %get3A_0] : memref<2048x128xf32, #tpu.memory_space<vmem>>, vector<2048x128xf32>
    %get3A_2 = arith.constant 0 : index
    %get3A_3 = arith.constant 0 : index
    %get3A_4 = vector.load %arg4[%get3A_2, %get3A_3] : memref<384x128xf32, #tpu.memory_space<vmem>>, vector<128x128xf32>
    %dot_general3A = arith.constant dense<0.000000e+00> : vector<2048x128xf32>
    %dot_general3A_5 = tpu.matmul %get3A_1, %get3A_4, %dot_general3A {dimension_numbers = #tpu.dot_dimension_numbers<[1], [0], [0], [1], [0, 0, 1, 1], [], []>, transpose_lhs_hint = false} : vector<2048x128xf32>, vector<128x128xf32>, vector<2048x128xf32> -> vector<2048x128xf32>
    %get3A_6 = arith.constant 0 : index
    %get3A_7 = arith.constant 0 : index
    %get3A_8 = vector.load %arg2[%get3A_6, %get3A_7] : memref<2048x128xf32, #tpu.memory_space<vmem>>, vector<2048x128xf32>
    %get3A_9 = arith.constant 128 : index
    %get3A_10 = arith.constant 0 : index
    %get3A_11 = vector.load %arg4[%get3A_9, %get3A_10] : memref<384x128xf32, #tpu.memory_space<vmem>>, vector<128x128xf32>
    %dot_general3A_12 = arith.constant dense<0.000000e+00> : vector<2048x128xf32>
    %dot_general3A_13 = tpu.matmul %get3A_8, %get3A_11, %dot_general3A_12 {dimension_numbers = #tpu.dot_dimension_numbers<[1], [0], [0], [1], [0, 0, 1, 1], [], []>, transpose_lhs_hint = false} : vector<2048x128xf32>, vector<128x128xf32>, vector<2048x128xf32> -> vector<2048x128xf32>
    %add3A = arith.addf %dot_general3A_5, %dot_general3A_13 : vector<2048x128xf32>
    %get3A_14 = arith.constant 0 : index
    %get3A_15 = arith.constant 0 : index
    %get3A_16 = vector.load %arg3[%get3A_14, %get3A_15] : memref<2048x128xf32, #tpu.memory_space<vmem>>, vector<2048x128xf32>
    %get3A_17 = arith.constant 256 : index
    %get3A_18 = arith.constant 0 : index
    %get3A_19 = vector.load %arg4[%get3A_17, %get3A_18] : memref<384x128xf32, #tpu.memory_space<vmem>>, vector<128x128xf32>
    %dot_general3A_20 = arith.constant dense<0.000000e+00> : vector<2048x128xf32>
    %dot_general3A_21 = tpu.matmul %get3A_16, %get3A_19, %dot_general3A_20 {dimension_numbers = #tpu.dot_dimension_numbers<[1], [0], [0], [1], [0, 0, 1, 1], [], []>, transpose_lhs_hint = false} : vector<2048x128xf32>, vector<128x128xf32>, vector<2048x128xf32> -> vector<2048x128xf32>
    %add3A_22 = arith.addf %add3A, %dot_general3A_21 : vector<2048x128xf32>
    %get3A_23 = arith.constant 0 : index
    %get3A_24 = vector.load %arg5[%get3A_23] : memref<128xf32, #tpu.memory_space<vmem>>, vector<128xf32>
    %broadcast_in_dim3A = vector.shape_cast %get3A_24 : vector<128xf32> to vector<1x128xf32>
    %add3A_25 = vector.broadcast %broadcast_in_dim3A : vector<1x128xf32> to vector<2048x128xf32>
    %add3A_26 = arith.addf %add3A_22, %add3A_25 : vector<2048x128xf32>
    %max3A = arith.constant 0.000000e+00 : f32
    %max3A_27 = vector.broadcast %max3A : f32 to vector<2048x128xf32>
    %max3A_28 = arith.maximumf %add3A_26, %max3A_27 : vector<2048x128xf32>
    %get3A_29 = arith.constant 0 : index
    %get3A_30 = arith.constant 0 : index
    %get3A_31 = vector.load %arg6[%get3A_29, %get3A_30] : memref<128x4xf32, #tpu.memory_space<vmem>>, vector<128x4xf32>
    %dot_general3A_32 = arith.constant dense<0.000000e+00> : vector<4x2048xf32>
    %dot_general3A_33 = tpu.matmul %get3A_31, %max3A_28, %dot_general3A_32 {dimension_numbers = #tpu.dot_dimension_numbers<[0], [1], [1], [0], [0, 1, 1, 0], [], []>, transpose_lhs_hint = false} : vector<128x4xf32>, vector<2048x128xf32>, vector<4x2048xf32> -> vector<4x2048xf32>
    %get3A_34 = arith.constant 0 : index
    %get3A_35 = vector.load %arg7[%get3A_34] : memref<4xf32, #tpu.memory_space<vmem>>, vector<4xf32>
    %broadcast_in_dim3A_36 = vector.shape_cast %get3A_35 : vector<4xf32> to vector<4x1xf32>
    %add3A_37 = vector.broadcast %broadcast_in_dim3A_36 : vector<4x1xf32> to vector<4x2048xf32>
    %add3A_38 = arith.addf %dot_general3A_33, %add3A_37 : vector<4x2048xf32>
    %swap3A = arith.constant 0 : index
    %swap3A_39 = arith.constant 0 : index
    %swap3A_40 = vector.load %arg8[%swap3A, %swap3A_39] : memref<4x2048xf32, #tpu.memory_space<vmem>>, vector<4x2048xf32>
    tpu.vector_store %arg8[%swap3A, %swap3A_39], %add3A_38 {strides = array<i32>} : memref<4x2048xf32, #tpu.memory_space<vmem>>, vector<4x2048xf32>,
    return
  }
  func.func @transform_0(%arg0: i32) -> (i32, i32) {
    %c0_i32 = arith.constant 0 : i32
    %c0_i32_0 = arith.constant 0 : i32
    return %arg0, %c0_i32 : i32, i32
  }
  func.func @transform_1(%arg0: i32) -> (i32, i32) {
    %c0_i32 = arith.constant 0 : i32
    %c0_i32_0 = arith.constant 0 : i32
    return %arg0, %c0_i32 : i32, i32
  }
  func.func @transform_2(%arg0: i32) -> (i32, i32) {
    %c0_i32 = arith.constant 0 : i32
    %c0_i32_0 = arith.constant 0 : i32
    return %arg0, %c0_i32 : i32, i32
  }
  func.func @transform_3(%arg0: i32) -> (i32, i32) {
    %c0_i32 = arith.constant 0 : i32
    %c0_i32_0 = arith.constant 0 : i32
    %c0_i32_1 = arith.constant 0 : i32
    return %c0_i32, %c0_i32_0 : i32, i32
  }
  func.func @transform_4(%arg0: i32) -> i32 {
    %c0_i32 = arith.constant 0 : i32
    %c0_i32_0 = arith.constant 0 : i32
    return %c0_i32 : i32
  }
  func.func @transform_5(%arg0: i32) -> (i32, i32) {
    %c0_i32 = arith.constant 0 : i32
    %c0_i32_0 = arith.constant 0 : i32
    %c0_i32_1 = arith.constant 0 : i32
    return %c0_i32, %c0_i32_0 : i32, i32
  }
  func.func @transform_6(%arg0: i32) -> i32 {
    %c0_i32 = arith.constant 0 : i32
    %c0_i32_0 = arith.constant 0 : i32
    return %c0_i32 : i32
  }
  func.func @transform_7(%arg0: i32) -> (i32, i32) {
    %c0_i32 = arith.constant 0 : i32
    %c0_i32_0 = arith.constant 0 : i32
    return %c0_i32, %arg0 : i32, i32
  }
}

</mosaic_0001>

<sc_bundles>
// kernel: kernel.6.cloned.1.call-start
scs
__scs_entry_jumppad:
0x0: {  	(pc) =	sbr.rel $0x88, $3  }
0x1: {  	(tag) =	ssettag $0x0;
	lr =	simm.s32 $0x1  }
0x2: {  	[smem:$0x3F97] =	sst lr;
	_ =	strace $0xD0000000  }
0x3: {  	_ = 	snop  }
0x4: {  	_ = 	snop  }
0x5: {  	_ = 	snop  }
0x6: {  	_ = 	snop  }
0x7: {  	_ = 	snop  }
__scs_overlays_trampoline_lowered:
0x8: {  	[smem:$0x3FA6] =	sst s0  }
0x9: {  	[smem:$0x3FA7] =	sst s1  }
0xa: {  	[smem:$0x3FA8] =	sst s2  }
0xb: {  	[smem:$0x3FA9] =	sst s3  }
0xc: {  	[smem:$0x3FAA] =	sst s4  }
0xd: {  	[smem:$0x3FAB] =	sst s5  }
0xe: {  	[smem:$0x3FAC] =	sst s6  }
0xf: {  	[smem:$0x3FAD] =	sst s7  }
0x10: {  	[smem:$0x3FAE] =	sst s8  }
0x11: {  	[smem:$0x3FAF] =	sst s9;
	s0 =	simm.s32 @!p0 $0x0  }
0x12: {  	s1 =	sld [smem:$0x3F95];
	s0 =	simm.s32 @p0 $0x1  }
0x13: {  	[smem:$0x3FB0] =	sst s0;
	s0 =	simm.s32 @!p1 $0x0  }
0x14: {  	s2 =	sld [smem:$0x3F94];
	s0 =	simm.s32 @p1 $0x1  }
0x15: {  	[smem:$0x3FB1] =	sst s0;
	s0 =	simm.s32 @!p2 $0x0  }
0x16: {  	s3 =	sld [smem:$0x3FDB];
	s0 =	simm.s32 @p2 $0x1  }
0x17: {  	s4 =	simm.s32 $0x1BF5;
	[smem:$0x3FB3] =	sst s0  }
0x18: {  	s0 =	sld [smem:$0x3F96];
	_ =	swait.ge [sflag:s4], $0x0  }
0x19: {  	s7 =	sld [smem:$0x3F97]  }
0x1a: {  	s8 =	sadd.s32 $0xFFFFE003, lr  }
0x1b: {  	s9 =	sadd.s32 $0xFFFFFEF7, lr;
	s5 =	simm.s32 $0xFFFFFFFF;
	p2 =	slt.u32 s8, $0xFFFFF086  }
0x1c: {  	p1 =	slt.u32 s9, $0xF7A;
	s5 =	simm.s32 @!p2 $0x0  }
0x1d: {  	s5 =	simm.s32 @p1 $0x1;
	p0 =	seq.s32 s7, s2  }
0x1e: {  	s7 =	smul.u32 @!p0 $0xF7A, s2;
	p2 =	seq.s32 @!p0 s5, $0x0  }
0x1f: {  	s9 =	smul.u32 $0xF7A, s1;
	s8 =	simm.s32 @!p0 $0x1BF5;
	p2 =	por !p2, p0  }
0x20: {  	[sflag:s8] =	ssyncset.s32 @!p0 $0xFFFFF086;
	s6 =	sadd.s32 @!p0 s3, s7;
	s7 =	simm.s32 @!p0 $0x108  }
0x21: {  	s3 =	sadd.s32 s3, s9;
	s6 =	sadd.s32 @!p0 $0x88, s6;
	s7 =	simm.s32 @p2 $0x1082  }
0x22: {  	[simem:s7], [sflag:s8] =	dma.local @!p0 [hbm:s6], $0xF7A  }
0x23: {  	s9 =	sor.u32 $0xD0000000, s2;
	s6 =	simm.s32 $0x108;
	_ =	swait.ge @!p0 [sflag:s8], $0x0  }
0x24: {  	s3 =	sadd.s32 $0x88, s3;
	s6 =	simm.s32 @!p1 $0x1082;
	[sflag:s4] =	ssyncset.s32 $0xFFFFF086  }
0x25: {  	[simem:s6], [sflag:s4] =	dma.local [hbm:s3], $0xF7A  }
0x26: {  	[smem:$0x3F97] =	sst s1;
	(tag) =	ssettag s2;
	_ =	strace s9  }
0x27: {  	s1 =	sld [smem:$0x3FA7]  }
0x28: {  	s2 =	sld [smem:$0x3FA8]  }
0x29: {  	s4 =	sld [smem:$0x3FAA]  }
0x2a: {  	p0 =	seq.s32 s5, $0x0;
	s5 =	sld [smem:$0x3FAB]  }
0x2b: {  	s6 =	sld [smem:$0x3FAC]  }
0x2c: {  	s7 =	sld [smem:$0x3FAD]  }
0x2d: {  	s3 =	simm.s32 $0x108;
	s8 =	sld [smem:$0x3FAE]  }
0x2e: {  	s3 =	simm.s32 @!p0 $0x1082;
	s9 =	sld [smem:$0x3FAF]  }
0x2f: {  	lr =	sadd.s32 s0, s3;
	s0 =	sld [smem:$0x3FA6]  }
0x30: {  	s3 =	sld [smem:$0x3FA9]  }
0x31: {  	[smem:$0x3FB2] =	sst s10  }
0x32: {  	s10 =	sld [smem:$0x3FB0];
	_ =	sdelay $0x3  }
0x33: {  	p0 =	seq.s32 s10, $0x1;
	s10 =	sld [smem:$0x3FB2];
	_ =	sdelay $0x3  }
0x34: {  	[smem:$0x3FB2] =	sst s10  }
0x35: {  	s10 =	sld [smem:$0x3FB1];
	_ =	sdelay $0x3  }
0x36: {  	p1 =	seq.s32 s10, $0x1;
	s10 =	sld [smem:$0x3FB2];
	_ =	sdelay $0x3  }
0x37: {  	[smem:$0x3FB2] =	sst s10  }
0x38: {  	s10 =	sld [smem:$0x3FB3]  }
0x39: {  	_ = 	snop;
	(pc) =	sbr.ind lr, $3  }
0x3a: {  	_ = 	snop  }
0x3b: {  	_ = 	snop  }
0x3c: {  	p2 =	seq.s32 s10, $0x1;
	s10 =	sld [smem:$0x3FB2]  }
0x3d: {  	_ =	shalt  }
0x3e: {  	_ =	shalt  }
0x3f: {  	_ =	shalt  }
0x40: {  	_ =	shalt  }
0x41: {  	_ =	shalt  }
0x42: {  	_ =	shalt  }
0x43: {  	_ =	shalt  }
0x44: {  	_ =	shalt  }
0x45: {  	_ =	shalt  }
0x46: {  	_ =	shalt  }
0x47: {  	_ =	shalt  }
0x48: {  	_ =	shalt  }
0x49: {  	_ =	shalt  }
0x4a: {  	_ =	shalt  }
0x4b: {  	_ =	shalt  }
0x4c: {  	_ =	shalt  }
0x4d: {  	_ =	shalt  }
0x4e: {  	_ =	shalt  }
0x4f: {  	_ =	shalt  }
0x50: {  	_ =	shalt  }
0x51: {  	_ =	shalt  }
0x52: {  	_ =	shalt  }
0x53: {  	_ =	shalt  }
0x54: {  	_ =	shalt  }
0x55: {  	_ =	shalt  }
0x56: {  	_ =	shalt  }
0x57: {  	_ =	shalt  }
0x58: {  	_ =	shalt  }
0x59: {  	_ =	shalt  }
0x5a: {  	_ =	shalt  }
0x5b: {  	_ =	shalt  }
0x5c: {  	_ =	shalt  }
0x5d: {  	_ =	shalt  }
0x5e: {  	_ =	shalt  }
0x5f: {  	_ =	shalt  }
0x60: {  	_ =	shalt  }
0x61: {  	_ =	shalt  }
0x62: {  	_ =	shalt  }
0x63: {  	_ =	shalt  }
0x64: {  	_ =	shalt  }
0x65: {  	_ =	shalt  }
0x66: {  	_ =	shalt  }
0x67: {  	_ =	shalt  }
0x68: {  	_ =	shalt  }
0x69: {  	_ =	shalt  }
0x6a: {  	_ =	shalt  }
0x6b: {  	_ =	shalt  }
0x6c: {  	_ =	shalt  }
0x6d: {  	_ =	shalt  }
0x6e: {  	_ =	shalt  }
0x6f: {  	_ =	shalt  }
0x70: {  	_ =	shalt  }
0x71: {  	_ =	shalt  }
0x72: {  	_ =	shalt  }
0x73: {  	_ =	shalt  }
0x74: {  	_ =	shalt  }
0x75: {  	_ =	shalt  }
0x76: {  	_ =	shalt  }
0x77: {  	_ =	shalt  }
0x78: {  	_ =	shalt  }
0x79: {  	_ =	shalt  }
0x7a: {  	_ =	shalt  }
0x7b: {  	_ =	shalt  }
0x7c: {  	_ =	shalt  }
0x7d: {  	_ =	shalt  }
0x7e: {  	_ =	shalt  }
0x7f: {  	_ =	shalt  }
0x80: {  	_ =	shalt  }
0x81: {  	_ =	shalt  }
0x82: {  	_ =	shalt  }
0x83: {  	_ =	shalt  }
0x84: {  	_ =	shalt  }
0x85: {  	_ =	shalt  }
0x86: {  	_ =	shalt  }
0x87: {  	_ =	shalt  }
.Lfunc_end0:
.L_simem_size_0:
called_computation_lowered:
.L_overlay_start_0:
0x88: {  	s2 =	sld [smem:$0x3FD9]  }
0x89: {  	s3 =	sld [smem:$0x3FFE];
	_ =	sdelay $0x1  }
0x8a: {  	s1 =	srdreg.scid  }
0x8b: {  	s0 =	sand.u32 $0x1, s1  }
0x8c: {  	s17 =	sshll.u32 s0, $0xA;
	s2 =	sadd.s32 s3, s2  }
0x8d: {  	s2 =	sadd.s32 s2, s17  }
0x8e: {  	[smem:$0x3FBE] =	sst s2  }
0x8f: {  	_ = 	snop  }
0x90: {  	s18 =	sld [smem:$0x3FC9]  }
0x91: {  	s4 =	sld [smem:$0x3FC8]  }
0x92: {  	s5 =	sld [smem:$0x3FC7]  }
0x93: {  	s6 =	sld [smem:$0x3FC6]  }
0x94: {  	s7 =	sld [smem:$0x3FC5]  }
0x95: {  	s8 =	sld [smem:$0x3FC4];
	(tm) =	ssettm $0x1  }
0x96: {  	s19 =	sld [smem:$0x3FFB];
	_ =	sdelay $0x3  }
0x97: {  	_ =	strace s19  }
0x98: {  	s2 =	sld [smem:$0x3FFC];
	_ =	sdelay $0x3  }
0x99: {  	_ =	strace s2  }
0x9a: {  	s2 =	sld [smem:$0x3FFD];
	_ =	sdelay $0x3  }
0x9b: {  	_ =	strace s2  }
0x9c: {  	_ =	strace $0x8FFFFFFF  }
0x9d: {  	s20 =	sld [smem:$0x3FDB];
	_ =	sdelay $0x1  }
0x9e: {  	s9 =	simm.s32 $_scs_section_size  }
0x9f: {  	s10 =	simm.s32 $_size__tile_overlayer_lowered;
	s11 =	simm.s32 $_tile_overlayer_lowered  }
0xa0: {  	s12 =	simm.s32 $0x1BFF;
	s21 =	sshll.u32 s11, $0x1;
	s9 =	sadd.s32 s9, s20  }
0xa1: {  	s22 =	simm.s32 $0x0;
	s10 =	sshll.u32 s10, $0x1;
	s11 =	sadd.s32 s21, s9  }
0xa2: {  	[timem:s22], [sflag:s12] =	dma.local [hbm:s11], s10  }
0xa3: {  	_ =	swait.ge [sflag:s12], s10  }
0xa4: {  	s10 =	ssub.s32 $0x0, s10;
	[sflag:s12] =	ssyncset.done $0x0  }
0xa5: {  	[sflag:s12] =	ssyncadd.s32 s10;
	_ =	sdelay $0x1  }
0xa6: {  	s23 =	simm.s32 $0x1B8B  }
0xa7: {  	_ =	swait.ge [sflag:s23], $0x1  }
0xa8: {  	[sflag:s23] =	ssyncset.done $0x0  }
0xa9: {  	[sflag:s23] =	ssyncadd.s32 $0xFFFFFFFF  }
0xaa: {  	s10 =	sld [smem:$0x0]  }
0xab: {  	s11 =	sand.u32 $0xFFFFFFFE, s1  }
0xac: {  	p0 =	sne.s32 s1, s11  }
0xad: {  	s11 =	sshll.u32 @p0 s11, $0xE  }
0xae: {  	s11 =	sadd.s32 @p0 $0x11B8D, s11;
	s12 =	sshll.u32 @p0 s10, $0x11  }
0xaf: {  	s11 =	sor.u32 @p0 s12, s11  }
0xb0: {  	[sflag:s11] =	ssyncadd.remote.s32 @p0 $0x1;
	_ =	sdelay $0x1  }
0xb1: {  	s11 =	simm.s32 @p0 $0x1B8D  }
0xb2: {  	_ =	swait.eq @p0 [sflag:s11], $0x1  }
0xb3: {  	[sflag:s11] =	ssyncadd.s32 @p0 $0xFFFFFFFF  }
0xb4: {  	s12 =	sshll.u32 @!p0 s1, $0xE  }
0xb5: {  	s12 =	sor.u32 @!p0 $0x4000, s12;
	s11 =	simm.s32 @!p0 $0x1B8D  }
0xb6: {  	s10 =	sshll.u32 @!p0 s10, $0x11;
	s12 =	sadd.s32 @!p0 $0x11B8D, s12;
	_ =	swait.eq @!p0 [sflag:s11], $0x1  }
0xb7: {  	s10 =	sor.u32 @!p0 s10, s12;
	[sflag:s11] =	ssyncadd.s32 @!p0 $0xFFFFFFFF  }
0xb8: {  	s25 =	simm.s32 $0x1B8E;
	s24 =	sld [smem:$0x3FFE];
	[sflag:s10] =	ssyncadd.remote.s32 @!p0 $0x1  }
0xb9: {  	s26 =	simm.s32 $execute0_lowered;
	[smem:$0x3FD2] =	sst s25  }
0xba: {  	s11 =	sshll.u32 s26, $0x1;
	_ =	strace $0x80000049;
	[dreg:$0x1] =	wrdreg $0xFFFFFFFF  }
0xbb: {  	s28 =	simm.s32 $_size_execute0_lowered;
	s9 =	sadd.s32 s9, s11;
	[dreg:$0x0] =	wrdreg $0x0  }
0xbc: {  	s11 =	sshll.u32 s28, $0x1;
	[dreg:$0x2] =	wrdreg s9  }
0xbd: {  	[dreg:$0x3] =	wrdreg s11  }
0xbe: {  	[dreg:$0x4] =	wrdreg $0xC0  }
0xbf: {  	_ =	task [dreg:s22], $0x5FFFF  }
0xc0: {  	[dreg:$0x1] =	wrdreg $0xFFFFFFFF  }
0xc1: {  	[dreg:$0x0] =	wrdreg $0x60  }
0xc2: {  	[dreg:$0x2] =	wrdreg s6  }
0xc3: {  	[dreg:$0x3] =	wrdreg s7  }
0xc4: {  	[dreg:$0x4] =	wrdreg s8  }
0xc5: {  	[dreg:$0x5] =	wrdreg s18  }
0xc6: {  	[dreg:$0x6] =	wrdreg s4  }
0xc7: {  	[dreg:$0x7] =	wrdreg s5  }
0xc8: {  	[dreg:$0x8] =	wrdreg s24  }
0xc9: {  	[dreg:$0x9] =	wrdreg $0x9  }
0xca: {  	_ =	task.clear_ibuf [dreg:s22], $0xAFFFF;
	_ =	strace $0x90000049  }
0xcb: {  	s29 =	simm.s32 $0x9;
	_ =	strace $0x8000004B  }
0xcc: {  	_ =	swait.ge [sflag:s29], $0x1  }
0xcd: {  	[sflag:s29] =	ssyncadd.s32 $0xFFFFFFFF  }
0xce: {  	_ =	strace $0x9000004B  }
0xcf: {  	_ =	sfence  }
0xd0: {  	s30 =	sld [smem:$0x0];
	_ =	sdelay $0x2  }
0xd1: {  	s31 =	sshll.u32 s1, $0xD;
	s1 =	sshrl.u32 s1, $0x2  }
0xd2: {  	s4 =	sand.u32 $0x4000, s31;
	s1 =	sadd.s32 s1, s30  }
0xd3: {  	s0 =	sor.u32 s4, s0;
	s1 =	sshll.u32 s1, $0x11  }
0xd4: {  	s0 =	sor.u32 s1, s0  }
0xd5: {  	s0 =	sadd.s32 $0x8F2B, s0  }
0xd6: {  	[sflag:s0] =	ssyncadd.remote.s32 $0x1  }
0xd7: {  	_ =	sfence.sel $0xFFFF  }
0xd8: {  	[dreg:$0x0] =	wrdreg $0xFFFFFFFF;
	(pc) =	sbr.abs _section_cstart, $3  }
0xd9: {  	[dreg:$0x1] =	wrdreg $0xFFFFFFFF  }
0xda: {  	_ =	task.clear_ibuf [dreg:s22], $0x2FFFF;
	_ =	strace $0x9FFFFFFF  }
0xdb: {  	(tm) =	ssettm $0x7FFFFFFF  }
tec
execute0_lowered:
.L_overlay_start_1:
0x0: {  	(tag) =	ssettag $0x1  }
0x1: {  	s5 =	rddreg [dreg:$0x0]  }
0x2: {  	s4 =	rddreg [dreg:$0x1]  }
0x3: {  	s3 =	rddreg [dreg:$0x2]  }
0x4: {  	s0 =	rddreg [dreg:$0x3]  }
0x5: {  	s1 =	rddreg [dreg:$0x4]  }
0x6: {  	s6 =	rddreg [dreg:$0x5]  }
0x7: {  	s2 =	srdreg.scid;
	s9 =	stileid.u32  }
0x8: {  	s7 =	rddreg [dreg:$0x6];
	s30 =	simm.s32 $0x1;
	s17 =	simm.s32 $0x4300  }
0x9: {  	s31 =	simm.s32 $0x2;
	s16 =	simm.s32 $0x8300;
	s28 =	simm.s32 $0x3  }
0xa: {  	s18 =	simm.s32 $0x8;
	p0 =	por $0x0, $0x0;
	s8 =	sand.u32 $0x1, s2  }
0xb: {  	s9 =	sshll.u32 s9, $0x1;
	s2 =	simm.s32 $0x0;
	s11 =	sadd.s32 $0x62400, s7  }
0xc: {  	s24 =	sadd.s32 $0x82400, s7;
	s7 =	sadd.s32 $0xA2400, s7;
	s9 =	sor.u32 s8, s9  }
0xd: {  	[smem:$0x7FF] =	sst s2;
	s8 =	ssub.s32 $0x2, s8;
	s10 =	sshll.u32 s9, $0x5  }
0xe: {  	_ =	strace $0x8000004A;
	s21 =	sshll.u32 s9, $0xC;
	s0 =	sadd.s32 s0, s10  }
0xf: {  	s9 =	simm.s32 $0xD;
	s19 =	sadd.s32 s1, s10;
	[dreg:$0x8] =	wrdreg s0  }
0x10: {  	s20 =	sadd.s32 s6, s10;
	s22 =	sadd.s32 s11, s21;
	[dreg:$0x9] =	wrdreg s19  }
0x11: {  	s23 =	sor.u32 $0x800, s21;
	s26 =	sadd.s32 s24, s21;
	[dreg:$0xa] =	wrdreg s20  }
0x12: {  	s12 =	sadd.s32 s7, s21;
	s21 =	simm.s32 $0x200;
	[dreg:$0xb] =	wrdreg s22  }
0x13: {  	s6 =	simm.s32 $0xF;
	s25 =	sadd.s32 s11, s23;
	[dreg:$0xd] =	wrdreg s26  }
0x14: {  	s10 =	sadd.s32 s24, s23;
	s11 =	sshrl.u32 s8, $0x1;
	[dreg:$0xf] =	wrdreg s12  }
0x15: {  	s14 =	sadd.s32 s7, s23;
	s24 =	simm.s32 $0x100;
	s22 =	simm.s32 $0x80  }
0x16: {  	s19 =	simm.s32 $0x300;
	s26 =	simm.s32 $0x180;
	s13 =	ssub.s32 s8, s11  }
0x17: {  	s23 =	simm.s32 $0x6;
	[dreg:$0xc] =	wrdreg s25;
	s15 =	smax.u32 s13, $0x1  }
0x18: {  	s20 =	simm.s32 $0x7;
	[dreg:$0xe] =	wrdreg s10;
	p1 =	sne.s32 s15, $0x1  }
.Ltmp0:
0x19: {  	s12 =	simm.s32 $0xB;
	[dreg:$0x10] =	wrdreg s14;
	(pc) =	sbr.rel @!p1 .LBB2_1-.Ltmp0, $4  }
0x1a: {  	s7 =	simm.s32 $0xE;
	[dreg:$0x11] =	wrdreg s26;
	s10 =	simm.s32 $0x10300  }
0x1b: {  	s8 =	simm.s32 $0x14300;
	s26 =	simm.s32 $0x4;
	s25 =	simm.s32 $0x5  }
0x1c: {  	s14 =	simm.s32 $0x9;
	s11 =	simm.s32 $0xC;
	s0 =	rddreg [dreg:$0x8]  }
0x1d: {  	s13 =	simm.s32 $0xC300;
	s29 =	sadd.s32 $0xFFFFFFFF, s15;
	s15 =	simm.s32 $0xA  }
0x1e: {  	[tilespmem:s2], [sflag:$0x1] =	stream.linear.gather [hbm4b:s0+s2], $0x100, $0x38;
	[tilespmem:$0x18300] =	vst v63  }
0x1f: {  	s1 =	rddreg [dreg:$0x9]  }
0x20: {  	[tilespmem:s24], [sflag:$0x2] =	stream.linear.gather [hbm4b:s1+s2], $0x100, $0x38;
	[tilespmem:$0x18300] =	vst v63  }
0x21: {  	s0 =	rddreg [dreg:$0xa]  }
0x22: {  	[tilespmem:s21], [sflag:$0x3] =	stream.linear.gather [hbm4b:s0+s2], $0x100, $0x38;
	[tilespmem:$0x18300] =	vst v63  }
0x23: {  	_ =	swait.ge [sflag:s30], $0x100  }
0x24: {  	[sflag:s30] =	ssyncset.done $0x0  }
0x25: {  	[sflag:s30] =	ssyncadd.s32 $0xFFFFFF00  }
0x26: {  	[tilespmem:s19], [sflag:$0x4] =	stream.indirect.gather [hbm4b:s5+s22], $0x80, s2, s22, $0xb8;
	[tilespmem:$0x18300] =	vst v63  }
0x27: {  	_ = 	snop  }
0x28: {  	[tilespmem:s17], [sflag:$0x5] =	stream.indirect.gather [hbm4b:s5+s22], $0x80, s22, s22, $0xb8;
	[tilespmem:$0x18300] =	vst v63  }
0x29: {  	_ =	swait.ge [sflag:s31], $0x100  }
0x2a: {  	[sflag:s31] =	ssyncset.done $0x0  }
0x2b: {  	[sflag:s31] =	ssyncadd.s32 $0xFFFFFF00  }
0x2c: {  	[tilespmem:s16], [sflag:$0x6] =	stream.indirect.gather [hbm4b:s4+s22], $0x80, s24, s22, $0xb8;
	[tilespmem:$0x18300] =	vst v63  }
0x2d: {  	s1 =	rddreg [dreg:$0x11]  }
0x2e: {  	[tilespmem:s13], [sflag:$0x7] =	stream.indirect.gather [hbm4b:s4+s22], $0x80, s1, s22, $0xb8;
	[tilespmem:$0x18300] =	vst v63  }
0x2f: {  	_ =	swait.ge [sflag:s28], $0x100  }
0x30: {  	[sflag:s28] =	ssyncset.done $0x0  }
0x31: {  	[sflag:s28] =	ssyncadd.s32 $0xFFFFFF00  }
0x32: {  	[tilespmem:s10], [sflag:$0x8] =	stream.indirect.gather [hbm4b:s3+s22], $0x80, s21, s22, $0xb8;
	[tilespmem:$0x18300] =	vst v63  }
0x33: {  	s1 =	simm.s32 $0x280  }
0x34: {  	[tilespmem:s8], [sflag:$0x9] =	stream.indirect.gather [hbm4b:s3+s22], $0x80, s1, s22, $0xb8;
	[tilespmem:$0x18300] =	vst v63  }
0x35: {  	_ =	swait.ge [sflag:s26], $0x4000  }
0x36: {  	[sflag:s26] =	ssyncset.done $0x0  }
0x37: {  	s1 =	rddreg [dreg:$0xb];
	[sflag:s26] =	ssyncadd.s32 $0xFFFFC000  }
0x38: {  	[hbm4b:s1+s2] =	stream.linear.scatter [tilespmem:s19], [sflag:$0xA], $0x4000, $0x38;
	[tilespmem:$0x18300] =	vst v63  }
0x39: {  	_ =	swait.ge [sflag:s25], $0x4000  }
0x3a: {  	[sflag:s25] =	ssyncset.done $0x0  }
0x3b: {  	s1 =	rddreg [dreg:$0xc];
	[sflag:s25] =	ssyncadd.s32 $0xFFFFC000  }
0x3c: {  	[hbm4b:s1+s2] =	stream.linear.scatter [tilespmem:s17], [sflag:$0xB], $0x4000, $0x38;
	[tilespmem:$0x18300] =	vst v63  }
0x3d: {  	_ =	swait.ge [sflag:s23], $0x4000  }
0x3e: {  	[sflag:s23] =	ssyncset.done $0x0  }
0x3f: {  	s1 =	rddreg [dreg:$0xd];
	[sflag:s23] =	ssyncadd.s32 $0xFFFFC000  }
0x40: {  	[hbm4b:s1+s2] =	stream.linear.scatter [tilespmem:s16], [sflag:$0xC], $0x4000, $0x38;
	[tilespmem:$0x18300] =	vst v63  }
0x41: {  	_ =	swait.ge [sflag:s20], $0x4000  }
0x42: {  	[sflag:s20] =	ssyncset.done $0x0  }
0x43: {  	s1 =	rddreg [dreg:$0xe];
	[sflag:s20] =	ssyncadd.s32 $0xFFFFC000  }
0x44: {  	[hbm4b:s1+s2] =	stream.linear.scatter [tilespmem:s13], [sflag:$0xD], $0x4000, $0x38;
	[tilespmem:$0x18300] =	vst v63  }
0x45: {  	_ =	swait.ge [sflag:s18], $0x4000  }
0x46: {  	[sflag:s18] =	ssyncset.done $0x0  }
0x47: {  	s1 =	rddreg [dreg:$0xf];
	[sflag:s18] =	ssyncadd.s32 $0xFFFFC000  }
0x48: {  	[hbm4b:s1+s2] =	stream.linear.scatter [tilespmem:s10], [sflag:$0xE], $0x4000, $0x38;
	[tilespmem:$0x18300] =	vst v63  }
0x49: {  	_ =	swait.ge [sflag:s14], $0x4000  }
0x4a: {  	[sflag:s14] =	ssyncset.done $0x0  }
0x4b: {  	s1 =	rddreg [dreg:$0x10];
	[sflag:s14] =	ssyncadd.s32 $0xFFFFC000  }
0x4c: {  	[hbm4b:s1+s2] =	stream.linear.scatter [tilespmem:s8], [sflag:$0xF], $0x4000, $0x38;
	[tilespmem:$0x18300] =	vst v63  }
0x4d: {  	_ =	swait.ge [sflag:s15], $0x4000  }
0x4e: {  	[sflag:s15] =	ssyncset.done $0x0  }
0x4f: {  	[sflag:s15] =	ssyncadd.s32 $0xFFFFC000  }
0x50: {  	_ =	swait.ge [sflag:s12], $0x4000  }
0x51: {  	[sflag:s12] =	ssyncset.done $0x0  }
0x52: {  	[sflag:s12] =	ssyncadd.s32 $0xFFFFC000  }
0x53: {  	_ =	swait.ge [sflag:s11], $0x4000  }
0x54: {  	[sflag:s11] =	ssyncset.done $0x0  }
0x55: {  	[sflag:s11] =	ssyncadd.s32 $0xFFFFC000  }
0x56: {  	_ =	swait.ge [sflag:s9], $0x4000  }
0x57: {  	[sflag:s9] =	ssyncset.done $0x0  }
0x58: {  	p1 =	sne.s32 s29, $0x1;
	[sflag:s9] =	ssyncadd.s32 $0xFFFFC000  }
.Ltmp1:
0x59: {  	_ =	swait.ge [sflag:s7], $0x4000;
	(pc) =	sbr.rel @!p1 .LBB2_3-.Ltmp1, $4  }
0x5a: {  	[sflag:s7] =	ssyncset.done $0x0  }
0x5b: {  	[sflag:s7] =	ssyncadd.s32 $0xFFFFC000  }
0x5c: {  	p0 =	por $0x1, $0x1;
	_ =	swait.ge [sflag:s6], $0x4000  }
0x5d: {  	s1 =	sadd.s32 $0xFFFFFFFF, s29;
	s0 =	rddreg [dreg:$0x8];
	[sflag:s6] =	ssyncset.done $0x0  }
.LBB2_4:
0x5e: {  	[sflag:s6] =	ssyncadd.s32 $0xFFFFC000  }
0x5f: {  	[tilespmem:s2], [sflag:$0x1] =	stream.linear.gather [hbm4b:s0+s2], $0x100, $0x38;
	[tilespmem:$0x18300] =	vst v63  }
0x60: {  	s29 =	rddreg [dreg:$0x9]  }
0x61: {  	[tilespmem:s24], [sflag:$0x2] =	stream.linear.gather [hbm4b:s29+s2], $0x100, $0x38;
	[tilespmem:$0x18300] =	vst v63  }
0x62: {  	s0 =	rddreg [dreg:$0xa]  }
0x63: {  	[tilespmem:s21], [sflag:$0x3] =	stream.linear.gather [hbm4b:s0+s2], $0x100, $0x38;
	[tilespmem:$0x18300] =	vst v63  }
0x64: {  	_ =	swait.ge [sflag:s30], $0x100  }
0x65: {  	[sflag:s30] =	ssyncset.done $0x0  }
0x66: {  	[sflag:s30] =	ssyncadd.s32 $0xFFFFFF00  }
0x67: {  	[tilespmem:s19], [sflag:$0x4] =	stream.indirect.gather [hbm4b:s5+s22], $0x80, s2, s22, $0xb8;
	[tilespmem:$0x18300] =	vst v63  }
0x68: {  	_ = 	snop  }
0x69: {  	[tilespmem:s17], [sflag:$0x5] =	stream.indirect.gather [hbm4b:s5+s22], $0x80, s22, s22, $0xb8;
	[tilespmem:$0x18300] =	vst v63  }
0x6a: {  	_ =	swait.ge [sflag:s31], $0x100  }
0x6b: {  	[sflag:s31] =	ssyncset.done $0x0  }
0x6c: {  	[sflag:s31] =	ssyncadd.s32 $0xFFFFFF00  }
0x6d: {  	[tilespmem:s16], [sflag:$0x6] =	stream.indirect.gather [hbm4b:s4+s22], $0x80, s24, s22, $0xb8;
	[tilespmem:$0x18300] =	vst v63  }
0x6e: {  	s29 =	rddreg [dreg:$0x11]  }
0x6f: {  	[tilespmem:s13], [sflag:$0x7] =	stream.indirect.gather [hbm4b:s4+s22], $0x80, s29, s22, $0xb8;
	[tilespmem:$0x18300] =	vst v63  }
0x70: {  	_ =	swait.ge [sflag:s28], $0x100  }
0x71: {  	[sflag:s28] =	ssyncset.done $0x0  }
0x72: {  	[sflag:s28] =	ssyncadd.s32 $0xFFFFFF00  }
0x73: {  	[tilespmem:s10], [sflag:$0x8] =	stream.indirect.gather [hbm4b:s3+s22], $0x80, s21, s22, $0xb8;
	[tilespmem:$0x18300] =	vst v63  }
0x74: {  	s29 =	simm.s32 $0x280  }
0x75: {  	[tilespmem:s8], [sflag:$0x9] =	stream.indirect.gather [hbm4b:s3+s22], $0x80, s29, s22, $0xb8;
	[tilespmem:$0x18300] =	vst v63  }
0x76: {  	_ =	swait.ge [sflag:s26], $0x4000  }
0x77: {  	[sflag:s26] =	ssyncset.done $0x0  }
0x78: {  	s29 =	rddreg [dreg:$0xb];
	[sflag:s26] =	ssyncadd.s32 $0xFFFFC000  }
0x79: {  	[hbm4b:s29+s2] =	stream.linear.scatter [tilespmem:s19], [sflag:$0xA], $0x4000, $0x38;
	[tilespmem:$0x18300] =	vst v63  }
0x7a: {  	_ =	swait.ge [sflag:s25], $0x4000  }
0x7b: {  	[sflag:s25] =	ssyncset.done $0x0  }
0x7c: {  	s29 =	rddreg [dreg:$0xc];
	[sflag:s25] =	ssyncadd.s32 $0xFFFFC000  }
0x7d: {  	[hbm4b:s29+s2] =	stream.linear.scatter [tilespmem:s17], [sflag:$0xB], $0x4000, $0x38;
	[tilespmem:$0x18300] =	vst v63  }
0x7e: {  	_ =	swait.ge [sflag:s23], $0x4000  }
0x7f: {  	[sflag:s23] =	ssyncset.done $0x0  }
0x80: {  	s29 =	rddreg [dreg:$0xd];
	[sflag:s23] =	ssyncadd.s32 $0xFFFFC000  }
0x81: {  	[hbm4b:s29+s2] =	stream.linear.scatter [tilespmem:s16], [sflag:$0xC], $0x4000, $0x38;
	[tilespmem:$0x18300] =	vst v63  }
0x82: {  	_ =	swait.ge [sflag:s20], $0x4000  }
0x83: {  	[sflag:s20] =	ssyncset.done $0x0  }
0x84: {  	s29 =	rddreg [dreg:$0xe];
	[sflag:s20] =	ssyncadd.s32 $0xFFFFC000  }
0x85: {  	[hbm4b:s29+s2] =	stream.linear.scatter [tilespmem:s13], [sflag:$0xD], $0x4000, $0x38;
	[tilespmem:$0x18300] =	vst v63  }
0x86: {  	_ =	swait.ge [sflag:s18], $0x4000  }
0x87: {  	[sflag:s18] =	ssyncset.done $0x0  }
0x88: {  	s29 =	rddreg [dreg:$0xf];
	[sflag:s18] =	ssyncadd.s32 $0xFFFFC000  }
0x89: {  	[hbm4b:s29+s2] =	stream.linear.scatter [tilespmem:s10], [sflag:$0xE], $0x4000, $0x38;
	[tilespmem:$0x18300] =	vst v63  }
0x8a: {  	_ =	swait.ge [sflag:s14], $0x4000  }
0x8b: {  	[sflag:s14] =	ssyncset.done $0x0  }
0x8c: {  	s29 =	rddreg [dreg:$0x10];
	[sflag:s14] =	ssyncadd.s32 $0xFFFFC000  }
0x8d: {  	[hbm4b:s29+s2] =	stream.linear.scatter [tilespmem:s8], [sflag:$0xF], $0x4000, $0x38;
	[tilespmem:$0x18300] =	vst v63  }
0x8e: {  	_ =	swait.ge [sflag:s15], $0x4000  }
0x8f: {  	[sflag:s15] =	ssyncset.done $0x0  }
0x90: {  	[sflag:s15] =	ssyncadd.s32 $0xFFFFC000  }
0x91: {  	_ =	swait.ge [sflag:s12], $0x4000  }
0x92: {  	[sflag:s12] =	ssyncset.done $0x0  }
0x93: {  	[sflag:s12] =	ssyncadd.s32 $0xFFFFC000  }
0x94: {  	_ =	swait.ge [sflag:s11], $0x4000  }
0x95: {  	[sflag:s11] =	ssyncset.done $0x0  }
0x96: {  	[sflag:s11] =	ssyncadd.s32 $0xFFFFC000  }
0x97: {  	_ =	swait.ge [sflag:s9], $0x4000  }
0x98: {  	[sflag:s9] =	ssyncset.done $0x0  }
0x99: {  	p1 =	sne.s32 s1, $0x1;
	[sflag:s9] =	ssyncadd.s32 $0xFFFFC000  }
.Ltmp2:
0x9a: {  	_ =	swait.ge [sflag:s7], $0x4000;
	(pc) =	sbr.rel @p1 .LBB2_4-.Ltmp2, $4  }
0x9b: {  	[sflag:s7] =	ssyncset.done $0x0  }
0x9c: {  	[sflag:s7] =	ssyncadd.s32 $0xFFFFC000  }
0x9d: {  	_ =	swait.ge [sflag:s6], $0x4000  }
0x9e: {  	s1 =	sadd.s32 $0xFFFFFFFF, s1;
	s0 =	rddreg [dreg:$0x8];
	[sflag:s6] =	ssyncset.done $0x0  }
0x9f: {  	s29 =	simm.s32 $0x280  }
.LBB2_6:
0xa0: {  	[sflag:s6] =	ssyncadd.s32 @p0 $0xFFFFC000  }
0xa1: {  	[tilespmem:s2], [sflag:$0x1] =	stream.linear.gather [hbm4b:s0+s2], $0x100, $0x38;
	[tilespmem:$0x18300] =	vst v63  }
0xa2: {  	s1 =	rddreg [dreg:$0x9]  }
0xa3: {  	[tilespmem:s24], [sflag:$0x2] =	stream.linear.gather [hbm4b:s1+s2], $0x100, $0x38;
	[tilespmem:$0x18300] =	vst v63  }
0xa4: {  	s0 =	rddreg [dreg:$0xa]  }
0xa5: {  	[tilespmem:s21], [sflag:$0x3] =	stream.linear.gather [hbm4b:s0+s2], $0x100, $0x38;
	[tilespmem:$0x18300] =	vst v63  }
0xa6: {  	_ =	swait.ge [sflag:s30], $0x100  }
0xa7: {  	[sflag:s30] =	ssyncset.done $0x0  }
0xa8: {  	[sflag:s30] =	ssyncadd.s32 $0xFFFFFF00  }
0xa9: {  	[tilespmem:s19], [sflag:$0x4] =	stream.indirect.gather [hbm4b:s5+s22], $0x80, s2, s22, $0xb8;
	[tilespmem:$0x18300] =	vst v63  }
0xaa: {  	_ = 	snop  }
0xab: {  	[tilespmem:s17], [sflag:$0x5] =	stream.indirect.gather [hbm4b:s5+s22], $0x80, s22, s22, $0xb8;
	[tilespmem:$0x18300] =	vst v63  }
0xac: {  	_ =	swait.ge [sflag:s31], $0x100  }
0xad: {  	[sflag:s31] =	ssyncset.done $0x0  }
0xae: {  	[sflag:s31] =	ssyncadd.s32 $0xFFFFFF00  }
0xaf: {  	[tilespmem:s16], [sflag:$0x6] =	stream.indirect.gather [hbm4b:s4+s22], $0x80, s24, s22, $0xb8;
	[tilespmem:$0x18300] =	vst v63  }
0xb0: {  	s5 =	rddreg [dreg:$0x11]  }
0xb1: {  	[tilespmem:s13], [sflag:$0x7] =	stream.indirect.gather [hbm4b:s4+s22], $0x80, s5, s22, $0xb8;
	[tilespmem:$0x18300] =	vst v63  }
0xb2: {  	_ =	swait.ge [sflag:s28], $0x100  }
0xb3: {  	[sflag:s28] =	ssyncset.done $0x0  }
0xb4: {  	[sflag:s28] =	ssyncadd.s32 $0xFFFFFF00  }
0xb5: {  	[tilespmem:s10], [sflag:$0x8] =	stream.indirect.gather [hbm4b:s3+s22], $0x80, s21, s22, $0xb8;
	[tilespmem:$0x18300] =	vst v63  }
0xb6: {  	_ = 	snop  }
0xb7: {  	[tilespmem:s8], [sflag:$0x9] =	stream.indirect.gather [hbm4b:s3+s22], $0x80, s29, s22, $0xb8;
	[tilespmem:$0x18300] =	vst v63  }
0xb8: {  	_ =	swait.ge [sflag:s26], $0x4000  }
0xb9: {  	[sflag:s26] =	ssyncset.done $0x0  }
0xba: {  	s22 =	rddreg [dreg:$0xb];
	[sflag:s26] =	ssyncadd.s32 $0xFFFFC000  }
0xbb: {  	[hbm4b:s22+s2] =	stream.linear.scatter [tilespmem:s19], [sflag:$0xA], $0x4000, $0x38;
	[tilespmem:$0x18300] =	vst v63  }
0xbc: {  	_ =	swait.ge [sflag:s25], $0x4000  }
0xbd: {  	[sflag:s25] =	ssyncset.done $0x0  }
0xbe: {  	s24 =	rddreg [dreg:$0xc];
	[sflag:s25] =	ssyncadd.s32 $0xFFFFC000  }
0xbf: {  	[hbm4b:s24+s2] =	stream.linear.scatter [tilespmem:s17], [sflag:$0xB], $0x4000, $0x38;
	[tilespmem:$0x18300] =	vst v63  }
0xc0: {  	_ =	swait.ge [sflag:s23], $0x4000  }
0xc1: {  	[sflag:s23] =	ssyncset.done $0x0  }
0xc2: {  	s26 =	rddreg [dreg:$0xd];
	[sflag:s23] =	ssyncadd.s32 $0xFFFFC000  }
0xc3: {  	[hbm4b:s26+s2] =	stream.linear.scatter [tilespmem:s16], [sflag:$0xC], $0x4000, $0x38;
	[tilespmem:$0x18300] =	vst v63  }
0xc4: {  	_ =	swait.ge [sflag:s20], $0x4000  }
0xc5: {  	[sflag:s20] =	ssyncset.done $0x0  }
0xc6: {  	s28 =	rddreg [dreg:$0xe];
	[sflag:s20] =	ssyncadd.s32 $0xFFFFC000  }
0xc7: {  	[hbm4b:s28+s2] =	stream.linear.scatter [tilespmem:s13], [sflag:$0xD], $0x4000, $0x38;
	[tilespmem:$0x18300] =	vst v63  }
0xc8: {  	_ =	swait.ge [sflag:s18], $0x4000  }
0xc9: {  	[sflag:s18] =	ssyncset.done $0x0  }
0xca: {  	s29 =	rddreg [dreg:$0xf];
	[sflag:s18] =	ssyncadd.s32 $0xFFFFC000  }
0xcb: {  	[hbm4b:s29+s2] =	stream.linear.scatter [tilespmem:s10], [sflag:$0xE], $0x4000, $0x38;
	[tilespmem:$0x18300] =	vst v63  }
0xcc: {  	_ =	swait.ge [sflag:s14], $0x4000  }
0xcd: {  	[sflag:s14] =	ssyncset.done $0x0  }
0xce: {  	s30 =	rddreg [dreg:$0x10];
	[sflag:s14] =	ssyncadd.s32 $0xFFFFC000  }
0xcf: {  	[hbm4b:s30+s2] =	stream.linear.scatter [tilespmem:s8], [sflag:$0xF], $0x4000, $0x38;
	[tilespmem:$0x18300] =	vst v63  }
0xd0: {  	_ =	swait.ge [sflag:s15], $0x4000  }
0xd1: {  	[sflag:s15] =	ssyncset.done $0x0  }
0xd2: {  	[sflag:s15] =	ssyncadd.s32 $0xFFFFC000  }
0xd3: {  	_ =	swait.ge [sflag:s12], $0x4000  }
0xd4: {  	[sflag:s12] =	ssyncset.done $0x0  }
0xd5: {  	[sflag:s12] =	ssyncadd.s32 $0xFFFFC000  }
0xd6: {  	_ =	swait.ge [sflag:s11], $0x4000  }
0xd7: {  	[sflag:s11] =	ssyncset.done $0x0  }
0xd8: {  	[sflag:s11] =	ssyncadd.s32 $0xFFFFC000  }
0xd9: {  	_ =	swait.ge [sflag:s9], $0x4000  }
0xda: {  	[sflag:s9] =	ssyncset.done $0x0  }
0xdb: {  	[sflag:s9] =	ssyncadd.s32 $0xFFFFC000  }
0xdc: {  	_ =	swait.ge [sflag:s7], $0x4000  }
0xdd: {  	[sflag:s7] =	ssyncset.done $0x0  }
0xde: {  	[sflag:s7] =	ssyncadd.s32 $0xFFFFC000  }
0xdf: {  	_ =	swait.ge [sflag:s6], $0x4000  }
0xe0: {  	[sflag:s6] =	ssyncset.done $0x0  }
0xe1: {  	[sflag:s6] =	ssyncadd.s32 $0xFFFFC000  }
0xe2: {  	_ =	sfence.sel $0x180000  }
0xe3: {  	[bflag:$0x0] =	sbarrier.arrive $0xFFFF  }
0xe4: {  	_ =	strace $0x9000004A  }
0xe5: {  	s31 =	stileid.u32;
	[bflag:$0x2] =	sbarrier.arrive $0xFFFF  }
0xe6: {  	p0 =	sne.s32 s31, $0x0;
	s0 =	rddreg [dreg:$0x7]  }
0xe7: {  	s0 =	sadd.s32 @!p0 $0x100000, s0  }
0xe8: {  	[sflag:s0] =	ssyncadd.tile.s32 @!p0 $0x1;
	_ =	shalt  }
.LBB2_1:
.Ltmp3:
0xe9: {  	(pc) =	sbr.rel .LBB2_6-.Ltmp3, $2  }
0xea: {  	_ =	sdelay $0x2  }
0xeb: {  	s29 =	simm.s32 $0x280  }
.LBB2_3:
.Ltmp4:
0xec: {  	(pc) =	sbr.rel .LBB2_6-.Ltmp4, $2  }
0xed: {  	_ =	sdelay $0x2  }
0xee: {  	s29 =	simm.s32 $0x280  }
.Lfunc_end2:
_tile_overlayer_lowered:
.L_overlay_start_2:
0xef: {  	(tag) =	ssettag $0x2  }
0xf0: {  	s0 =	rddreg [dreg:$0x0];
	s2 =	stileid.u32  }
0xf1: {  	s1 =	rddreg [dreg:$0x1];
	p0 =	sne.s32 s2, $0x0  }
0xf2: {  	s3 =	rddreg [dreg:$0x2];
	[bflag:$0x3] =	sbarrier.arrive $0xFFFF;
	s2 =	simm.s32 @!p0 $0x1C10  }
0xf3: {  	[timem:s3], [sflag:s2] =	dma.local @!p0 [hbm:s0], s1  }
0xf4: {  	s0 =	simm.s32 @!p0 $0x10  }
0xf5: {  	_ =	swait.ge @!p0 [sflag:s0], s1  }
0xf6: {  	s1 =	ssub.s32 @!p0 $0x0, s1;
	[sflag:s0] =	ssyncset.done @!p0 $0x0  }
0xf7: {  	[sflag:s0] =	ssyncadd.s32 @!p0 s1  }
0xf8: {  	[bflag:$0x3] =	sbarrier.arrive $0xFFFF  }
0xf9: {  	_ =	shalt  }

// kernel: kernel.9.cloned.1.call-start
scs
__scs_entry_jumppad:
0x0: {  	(pc) =	sbr.rel $0x88, $3  }
0x1: {  	(tag) =	ssettag $0x0;
	lr =	simm.s32 $0x1  }
0x2: {  	[smem:$0x3F97] =	sst lr;
	_ =	strace $0xD0000000  }
0x3: {  	_ = 	snop  }
0x4: {  	_ = 	snop  }
0x5: {  	_ = 	snop  }
0x6: {  	_ = 	snop  }
0x7: {  	_ = 	snop  }
__scs_overlays_trampoline_lowered:
0x8: {  	[smem:$0x3FA6] =	sst s0  }
0x9: {  	[smem:$0x3FA7] =	sst s1  }
0xa: {  	[smem:$0x3FA8] =	sst s2  }
0xb: {  	[smem:$0x3FA9] =	sst s3  }
0xc: {  	[smem:$0x3FAA] =	sst s4  }
0xd: {  	[smem:$0x3FAB] =	sst s5  }
0xe: {  	[smem:$0x3FAC] =	sst s6  }
0xf: {  	[smem:$0x3FAD] =	sst s7  }
0x10: {  	[smem:$0x3FAE] =	sst s8  }
0x11: {  	[smem:$0x3FAF] =	sst s9;
	s0 =	simm.s32 @!p0 $0x0  }
0x12: {  	s1 =	sld [smem:$0x3F95];
	s0 =	simm.s32 @p0 $0x1  }
0x13: {  	[smem:$0x3FB0] =	sst s0;
	s0 =	simm.s32 @!p1 $0x0  }
0x14: {  	s2 =	sld [smem:$0x3F94];
	s0 =	simm.s32 @p1 $0x1  }
0x15: {  	[smem:$0x3FB1] =	sst s0;
	s0 =	simm.s32 @!p2 $0x0  }
0x16: {  	s3 =	sld [smem:$0x3FDB];
	s0 =	simm.s32 @p2 $0x1  }
0x17: {  	s4 =	simm.s32 $0x1BF5;
	[smem:$0x3FB3] =	sst s0  }
0x18: {  	s0 =	sld [smem:$0x3F96];
	_ =	swait.ge [sflag:s4], $0x0  }
0x19: {  	s7 =	sld [smem:$0x3F97]  }
0x1a: {  	s8 =	sadd.s32 $0xFFFFE003, lr  }
0x1b: {  	s9 =	sadd.s32 $0xFFFFFEF7, lr;
	s5 =	simm.s32 $0xFFFFFFFF;
	p2 =	slt.u32 s8, $0xFFFFF086  }
0x1c: {  	p1 =	slt.u32 s9, $0xF7A;
	s5 =	simm.s32 @!p2 $0x0  }
0x1d: {  	s5 =	simm.s32 @p1 $0x1;
	p0 =	seq.s32 s7, s2  }
0x1e: {  	s7 =	smul.u32 @!p0 $0xF7A, s2;
	p2 =	seq.s32 @!p0 s5, $0x0  }
0x1f: {  	s9 =	smul.u32 $0xF7A, s1;
	s8 =	simm.s32 @!p0 $0x1BF5;
	p2 =	por !p2, p0  }
0x20: {  	[sflag:s8] =	ssyncset.s32 @!p0 $0xFFFFF086;
	s6 =	sadd.s32 @!p0 s3, s7;
	s7 =	simm.s32 @!p0 $0x108  }
0x21: {  	s3 =	sadd.s32 s3, s9;
	s6 =	sadd.s32 @!p0 $0x88, s6;
	s7 =	simm.s32 @p2 $0x1082  }
0x22: {  	[simem:s7], [sflag:s8] =	dma.local @!p0 [hbm:s6], $0xF7A  }
0x23: {  	s9 =	sor.u32 $0xD0000000, s2;
	s6 =	simm.s32 $0x108;
	_ =	swait.ge @!p0 [sflag:s8], $0x0  }
0x24: {  	s3 =	sadd.s32 $0x88, s3;
	s6 =	simm.s32 @!p1 $0x1082;
	[sflag:s4] =	ssyncset.s32 $0xFFFFF086  }
0x25: {  	[simem:s6], [sflag:s4] =	dma.local [hbm:s3], $0xF7A  }
0x26: {  	[smem:$0x3F97] =	sst s1;
	(tag) =	ssettag s2;
	_ =	strace s9  }
0x27: {  	s1 =	sld [smem:$0x3FA7]  }
0x28: {  	s2 =	sld [smem:$0x3FA8]  }
0x29: {  	s4 =	sld [smem:$0x3FAA]  }
0x2a: {  	p0 =	seq.s32 s5, $0x0;
	s5 =	sld [smem:$0x3FAB]  }
0x2b: {  	s6 =	sld [smem:$0x3FAC]  }
0x2c: {  	s7 =	sld [smem:$0x3FAD]  }
0x2d: {  	s3 =	simm.s32 $0x108;
	s8 =	sld [smem:$0x3FAE]  }
0x2e: {  	s3 =	simm.s32 @!p0 $0x1082;
	s9 =	sld [smem:$0x3FAF]  }
0x2f: {  	lr =	sadd.s32 s0, s3;
	s0 =	sld [smem:$0x3FA6]  }
0x30: {  	s3 =	sld [smem:$0x3FA9]  }
0x31: {  	[smem:$0x3FB2] =	sst s10  }
0x32: {  	s10 =	sld [smem:$0x3FB0];
	_ =	sdelay $0x3  }
0x33: {  	p0 =	seq.s32 s10, $0x1;
	s10 =	sld [smem:$0x3FB2];
	_ =	sdelay $0x3  }
0x34: {  	[smem:$0x3FB2] =	sst s10  }
0x35: {  	s10 =	sld [smem:$0x3FB1];
	_ =	sdelay $0x3  }
0x36: {  	p1 =	seq.s32 s10, $0x1;
	s10 =	sld [smem:$0x3FB2];
	_ =	sdelay $0x3  }
0x37: {  	[smem:$0x3FB2] =	sst s10  }
0x38: {  	s10 =	sld [smem:$0x3FB3]  }
0x39: {  	_ = 	snop;
	(pc) =	sbr.ind lr, $3  }
0x3a: {  	_ = 	snop  }
0x3b: {  	_ = 	snop  }
0x3c: {  	p2 =	seq.s32 s10, $0x1;
	s10 =	sld [smem:$0x3FB2]  }
0x3d: {  	_ =	shalt  }
0x3e: {  	_ =	shalt  }
0x3f: {  	_ =	shalt  }
0x40: {  	_ =	shalt  }
0x41: {  	_ =	shalt  }
0x42: {  	_ =	shalt  }
0x43: {  	_ =	shalt  }
0x44: {  	_ =	shalt  }
0x45: {  	_ =	shalt  }
0x46: {  	_ =	shalt  }
0x47: {  	_ =	shalt  }
0x48: {  	_ =	shalt  }
0x49: {  	_ =	shalt  }
0x4a: {  	_ =	shalt  }
0x4b: {  	_ =	shalt  }
0x4c: {  	_ =	shalt  }
0x4d: {  	_ =	shalt  }
0x4e: {  	_ =	shalt  }
0x4f: {  	_ =	shalt  }
0x50: {  	_ =	shalt  }
0x51: {  	_ =	shalt  }
0x52: {  	_ =	shalt  }
0x53: {  	_ =	shalt  }
0x54: {  	_ =	shalt  }
0x55: {  	_ =	shalt  }
0x56: {  	_ =	shalt  }
0x57: {  	_ =	shalt  }
0x58: {  	_ =	shalt  }
0x59: {  	_ =	shalt  }
0x5a: {  	_ =	shalt  }
0x5b: {  	_ =	shalt  }
0x5c: {  	_ =	shalt  }
0x5d: {  	_ =	shalt  }
0x5e: {  	_ =	shalt  }
0x5f: {  	_ =	shalt  }
0x60: {  	_ =	shalt  }
0x61: {  	_ =	shalt  }
0x62: {  	_ =	shalt  }
0x63: {  	_ =	shalt  }
0x64: {  	_ =	shalt  }
0x65: {  	_ =	shalt  }
0x66: {  	_ =	shalt  }
0x67: {  	_ =	shalt  }
0x68: {  	_ =	shalt  }
0x69: {  	_ =	shalt  }
0x6a: {  	_ =	shalt  }
0x6b: {  	_ =	shalt  }
0x6c: {  	_ =	shalt  }
0x6d: {  	_ =	shalt  }
0x6e: {  	_ =	shalt  }
0x6f: {  	_ =	shalt  }
0x70: {  	_ =	shalt  }
0x71: {  	_ =	shalt  }
0x72: {  	_ =	shalt  }
0x73: {  	_ =	shalt  }
0x74: {  	_ =	shalt  }
0x75: {  	_ =	shalt  }
0x76: {  	_ =	shalt  }
0x77: {  	_ =	shalt  }
0x78: {  	_ =	shalt  }
0x79: {  	_ =	shalt  }
0x7a: {  	_ =	shalt  }
0x7b: {  	_ =	shalt  }
0x7c: {  	_ =	shalt  }
0x7d: {  	_ =	shalt  }
0x7e: {  	_ =	shalt  }
0x7f: {  	_ =	shalt  }
0x80: {  	_ =	shalt  }
0x81: {  	_ =	shalt  }
0x82: {  	_ =	shalt  }
0x83: {  	_ =	shalt  }
0x84: {  	_ =	shalt  }
0x85: {  	_ =	shalt  }
0x86: {  	_ =	shalt  }
0x87: {  	_ =	shalt  }
.Lfunc_end0:
.L_simem_size_0:
called_computation.1_lowered:
.L_overlay_start_0:
0x88: {  	s2 =	sld [smem:$0x3FD9]  }
0x89: {  	s3 =	sld [smem:$0x3FFE];
	_ =	sdelay $0x1  }
0x8a: {  	s1 =	srdreg.scid  }
0x8b: {  	s0 =	sand.u32 $0x1, s1  }
0x8c: {  	s17 =	sshll.u32 s0, $0xA;
	s2 =	sadd.s32 s3, s2  }
0x8d: {  	s2 =	sadd.s32 s2, s17  }
0x8e: {  	[smem:$0x3FBE] =	sst s2  }
0x8f: {  	_ = 	snop  }
0x90: {  	s2 =	sld [smem:$0x3FC9]  }
0x91: {  	s18 =	sld [smem:$0x3FC8]  }
0x92: {  	s4 =	sld [smem:$0x3FC7]  }
0x93: {  	s5 =	sld [smem:$0x3FC6]  }
0x94: {  	s6 =	sld [smem:$0x3FC5]  }
0x95: {  	s7 =	sld [smem:$0x3FC4];
	(tm) =	ssettm $0x1  }
0x96: {  	s8 =	sld [smem:$0x3FFB];
	_ =	sdelay $0x3  }
0x97: {  	_ =	strace s8  }
0x98: {  	s8 =	sld [smem:$0x3FFC];
	_ =	sdelay $0x3  }
0x99: {  	_ =	strace s8  }
0x9a: {  	s8 =	sld [smem:$0x3FFD];
	_ =	sdelay $0x3  }
0x9b: {  	_ =	strace s8  }
0x9c: {  	_ =	strace $0x8FFFFFFF  }
0x9d: {  	s19 =	sld [smem:$0x3FDB];
	_ =	sdelay $0x1  }
0x9e: {  	s9 =	simm.s32 $_scs_section_size  }
0x9f: {  	s10 =	simm.s32 $_size__tile_overlayer_lowered;
	s11 =	simm.s32 $_tile_overlayer_lowered  }
0xa0: {  	s22 =	simm.s32 $0x1BFF;
	s21 =	sshll.u32 s11, $0x1;
	s8 =	sadd.s32 s9, s19  }
0xa1: {  	s12 =	simm.s32 $0x0;
	s20 =	sshll.u32 s10, $0x1;
	s10 =	sadd.s32 s21, s8  }
0xa2: {  	[timem:s12], [sflag:s22] =	dma.local [hbm:s10], s20  }
0xa3: {  	_ =	swait.ge [sflag:s22], s20  }
0xa4: {  	s9 =	ssub.s32 $0x0, s20;
	[sflag:s22] =	ssyncset.done $0x0  }
0xa5: {  	[sflag:s22] =	ssyncadd.s32 s9;
	_ =	sdelay $0x1  }
0xa6: {  	s23 =	simm.s32 $0x1B8B  }
0xa7: {  	_ =	swait.ge [sflag:s23], $0x1  }
0xa8: {  	[sflag:s23] =	ssyncset.done $0x0  }
0xa9: {  	s25 =	simm.s32 $0x1B8E;
	s24 =	sld [smem:$0x3FFE];
	[sflag:s23] =	ssyncadd.s32 $0xFFFFFFFF  }
0xaa: {  	s26 =	simm.s32 $execute0_lowered;
	[smem:$0x3FD2] =	sst s25  }
0xab: {  	s10 =	sshll.u32 s26, $0x1;
	_ =	strace $0x80000046;
	[dreg:$0x1] =	wrdreg $0xFFFFFFFF  }
0xac: {  	s28 =	simm.s32 $_size_execute0_lowered;
	s8 =	sadd.s32 s8, s10;
	[dreg:$0x0] =	wrdreg $0x0  }
0xad: {  	s10 =	sshll.u32 s28, $0x1;
	[dreg:$0x2] =	wrdreg s8  }
0xae: {  	[dreg:$0x3] =	wrdreg s10  }
0xaf: {  	[dreg:$0x4] =	wrdreg $0xC0  }
0xb0: {  	_ =	task [dreg:s12], $0x5FFFF  }
0xb1: {  	[dreg:$0x1] =	wrdreg $0xFFFFFFFF  }
0xb2: {  	[dreg:$0x0] =	wrdreg $0x60  }
0xb3: {  	[dreg:$0x2] =	wrdreg s5  }
0xb4: {  	[dreg:$0x3] =	wrdreg s6  }
0xb5: {  	[dreg:$0x4] =	wrdreg s7  }
0xb6: {  	[dreg:$0x5] =	wrdreg s2  }
0xb7: {  	[dreg:$0x6] =	wrdreg s18  }
0xb8: {  	[dreg:$0x7] =	wrdreg s4  }
0xb9: {  	[dreg:$0x8] =	wrdreg s24  }
0xba: {  	[dreg:$0x9] =	wrdreg $0xA  }
0xbb: {  	_ =	task.clear_ibuf [dreg:s12], $0xAFFFF;
	_ =	strace $0x90000046  }
0xbc: {  	s29 =	simm.s32 $0xA;
	_ =	strace $0x80000048  }
0xbd: {  	_ =	swait.ge [sflag:s29], $0x1  }
0xbe: {  	[sflag:s29] =	ssyncadd.s32 $0xFFFFFFFF  }
0xbf: {  	_ =	strace $0x90000048  }
0xc0: {  	_ =	sfence  }
0xc1: {  	s30 =	sld [smem:$0x0];
	_ =	sdelay $0x2  }
0xc2: {  	s31 =	sshll.u32 s1, $0xD;
	s1 =	sshrl.u32 s1, $0x2  }
0xc3: {  	s3 =	sand.u32 $0x4000, s31;
	s1 =	sadd.s32 s1, s30  }
0xc4: {  	s0 =	sor.u32 s3, s0;
	s1 =	sshll.u32 s1, $0x11  }
0xc5: {  	s0 =	sor.u32 s1, s0  }
0xc6: {  	s0 =	sadd.s32 $0x8F2B, s0  }
0xc7: {  	[sflag:s0] =	ssyncadd.remote.s32 $0x1  }
0xc8: {  	_ =	sfence.sel $0xFFFF  }
0xc9: {  	[dreg:$0x0] =	wrdreg $0xFFFFFFFF;
	(pc) =	sbr.abs _section_cstart, $3  }
0xca: {  	[dreg:$0x1] =	wrdreg $0xFFFFFFFF  }
0xcb: {  	_ =	task.clear_ibuf [dreg:s12], $0x2FFFF;
	_ =	strace $0x9FFFFFFF  }
0xcc: {  	(tm) =	ssettm $0x7FFFFFFF  }
0xcd: {  	_ =	shalt  }
tec
execute0_lowered:
.L_overlay_start_1:
0x0: {  	(tag) =	ssettag $0x1  }
0x1: {  	s5 =	rddreg [dreg:$0x0]  }
0x2: {  	s4 =	rddreg [dreg:$0x1]  }
0x3: {  	s3 =	rddreg [dreg:$0x2]  }
0x4: {  	s0 =	rddreg [dreg:$0x3]  }
0x5: {  	s1 =	rddreg [dreg:$0x4]  }
0x6: {  	s2 =	srdreg.scid;
	s6 =	rddreg [dreg:$0x5]  }
0x7: {  	s8 =	stileid.u32;
	s18 =	rddreg [dreg:$0x6]  }
0x8: {  	s30 =	simm.s32 $0x1;
	s31 =	simm.s32 $0x2;
	s16 =	simm.s32 $0x8300  }
0x9: {  	s28 =	simm.s32 $0x3;
	p0 =	por $0x0, $0x0;
	s7 =	sand.u32 $0x1, s2  }
0xa: {  	s17 =	sshll.u32 s8, $0x1;
	s2 =	simm.s32 $0x0;
	s11 =	sadd.s32 $0x2400, s18  }
0xb: {  	s24 =	sadd.s32 $0x22400, s18;
	s8 =	sadd.s32 $0x42400, s18;
	s18 =	simm.s32 $0x8  }
0xc: {  	s9 =	sor.u32 s7, s17;
	[smem:$0x7FF] =	sst s2;
	s7 =	ssub.s32 $0x2, s7  }
0xd: {  	s17 =	simm.s32 $0x4300;
	s10 =	sshll.u32 s9, $0x5;
	_ =	strace $0x80000047  }
0xe: {  	s21 =	sshll.u32 s9, $0xC;
	s9 =	simm.s32 $0xD;
	s10 =	sor.u32 $0x400, s10  }
0xf: {  	s22 =	sadd.s32 s11, s21;
	s23 =	sor.u32 $0x800, s21;
	s26 =	sadd.s32 s24, s21  }
0x10: {  	s12 =	sadd.s32 s8, s21;
	s21 =	simm.s32 $0x200;
	s0 =	sadd.s32 s0, s10  }
0x11: {  	s19 =	sadd.s32 s1, s10;
	s20 =	sadd.s32 s6, s10;
	[dreg:$0xb] =	wrdreg s22  }
0x12: {  	s25 =	sadd.s32 s11, s23;
	[dreg:$0xd] =	wrdreg s26;
	s10 =	sadd.s32 s24, s23  }
0x13: {  	s11 =	sshrl.u32 s7, $0x1;
	[dreg:$0xf] =	wrdreg s12;
	s14 =	sadd.s32 s8, s23  }
0x14: {  	s24 =	simm.s32 $0x100;
	s22 =	simm.s32 $0x80;
	[dreg:$0x8] =	wrdreg s0  }
0x15: {  	s26 =	simm.s32 $0x180;
	s8 =	simm.s32 $0x14300;
	[dreg:$0x9] =	wrdreg s19  }
0x16: {  	s23 =	simm.s32 $0x6;
	[dreg:$0xa] =	wrdreg s20;
	s13 =	ssub.s32 s7, s11  }
0x17: {  	s12 =	simm.s32 $0xB;
	[dreg:$0xc] =	wrdreg s25;
	s15 =	smax.u32 s13, $0x1  }
0x18: {  	s6 =	simm.s32 $0xF;
	[dreg:$0xe] =	wrdreg s10;
	p1 =	sne.s32 s15, $0x1  }
.Ltmp0:
0x19: {  	[dreg:$0x10] =	wrdreg s14;
	s19 =	simm.s32 $0x300;
	(pc) =	sbr.rel @!p1 .LBB2_1-.Ltmp0, $4  }
0x1a: {  	[dreg:$0x11] =	wrdreg s26;
	s10 =	simm.s32 $0x10300;
	s26 =	simm.s32 $0x4  }
0x1b: {  	s25 =	simm.s32 $0x5;
	s20 =	simm.s32 $0x7;
	s14 =	simm.s32 $0x9  }
0x1c: {  	s11 =	simm.s32 $0xC;
	s7 =	simm.s32 $0xE;
	s13 =	simm.s32 $0xC300  }
0x1d: {  	s0 =	rddreg [dreg:$0x8];
	s29 =	sadd.s32 $0xFFFFFFFF, s15;
	s15 =	simm.s32 $0xA  }
0x1e: {  	[tilespmem:s2], [sflag:$0x1] =	stream.linear.gather [hbm4b:s0+s2], $0x100, $0x38;
	[tilespmem:$0x18300] =	vst v63  }
0x1f: {  	s1 =	rddreg [dreg:$0x9]  }
0x20: {  	[tilespmem:s24], [sflag:$0x2] =	stream.linear.gather [hbm4b:s1+s2], $0x100, $0x38;
	[tilespmem:$0x18300] =	vst v63  }
0x21: {  	s0 =	rddreg [dreg:$0xa]  }
0x22: {  	[tilespmem:s21], [sflag:$0x3] =	stream.linear.gather [hbm4b:s0+s2], $0x100, $0x38;
	[tilespmem:$0x18300] =	vst v63  }
0x23: {  	_ =	swait.ge [sflag:s30], $0x100  }
0x24: {  	[sflag:s30] =	ssyncset.done $0x0  }
0x25: {  	[sflag:s30] =	ssyncadd.s32 $0xFFFFFF00  }
0x26: {  	[tilespmem:s19], [sflag:$0x4] =	stream.indirect.gather [hbm4b:s5+s22], $0x80, s2, s22, $0xb8;
	[tilespmem:$0x18300] =	vst v63  }
0x27: {  	_ = 	snop  }
0x28: {  	[tilespmem:s17], [sflag:$0x5] =	stream.indirect.gather [hbm4b:s5+s22], $0x80, s22, s22, $0xb8;
	[tilespmem:$0x18300] =	vst v63  }
0x29: {  	_ =	swait.ge [sflag:s31], $0x100  }
0x2a: {  	[sflag:s31] =	ssyncset.done $0x0  }
0x2b: {  	[sflag:s31] =	ssyncadd.s32 $0xFFFFFF00  }
0x2c: {  	[tilespmem:s16], [sflag:$0x6] =	stream.indirect.gather [hbm4b:s4+s22], $0x80, s24, s22, $0xb8;
	[tilespmem:$0x18300] =	vst v63  }
0x2d: {  	s1 =	rddreg [dreg:$0x11]  }
0x2e: {  	[tilespmem:s13], [sflag:$0x7] =	stream.indirect.gather [hbm4b:s4+s22], $0x80, s1, s22, $0xb8;
	[tilespmem:$0x18300] =	vst v63  }
0x2f: {  	_ =	swait.ge [sflag:s28], $0x100  }
0x30: {  	[sflag:s28] =	ssyncset.done $0x0  }
0x31: {  	[sflag:s28] =	ssyncadd.s32 $0xFFFFFF00  }
0x32: {  	[tilespmem:s10], [sflag:$0x8] =	stream.indirect.gather [hbm4b:s3+s22], $0x80, s21, s22, $0xb8;
	[tilespmem:$0x18300] =	vst v63  }
0x33: {  	s1 =	simm.s32 $0x280  }
0x34: {  	[tilespmem:s8], [sflag:$0x9] =	stream.indirect.gather [hbm4b:s3+s22], $0x80, s1, s22, $0xb8;
	[tilespmem:$0x18300] =	vst v63  }
0x35: {  	_ =	swait.ge [sflag:s26], $0x4000  }
0x36: {  	[sflag:s26] =	ssyncset.done $0x0  }
0x37: {  	s1 =	rddreg [dreg:$0xb];
	[sflag:s26] =	ssyncadd.s32 $0xFFFFC000  }
0x38: {  	[hbm4b:s1+s2] =	stream.linear.scatter [tilespmem:s19], [sflag:$0xA], $0x4000, $0x38;
	[tilespmem:$0x18300] =	vst v63  }
0x39: {  	_ =	swait.ge [sflag:s25], $0x4000  }
0x3a: {  	[sflag:s25] =	ssyncset.done $0x0  }
0x3b: {  	s1 =	rddreg [dreg:$0xc];
	[sflag:s25] =	ssyncadd.s32 $0xFFFFC000  }
0x3c: {  	[hbm4b:s1+s2] =	stream.linear.scatter [tilespmem:s17], [sflag:$0xB], $0x4000, $0x38;
	[tilespmem:$0x18300] =	vst v63  }
0x3d: {  	_ =	swait.ge [sflag:s23], $0x4000  }
0x3e: {  	[sflag:s23] =	ssyncset.done $0x0  }
0x3f: {  	s1 =	rddreg [dreg:$0xd];
	[sflag:s23] =	ssyncadd.s32 $0xFFFFC000  }
0x40: {  	[hbm4b:s1+s2] =	stream.linear.scatter [tilespmem:s16], [sflag:$0xC], $0x4000, $0x38;
	[tilespmem:$0x18300] =	vst v63  }
0x41: {  	_ =	swait.ge [sflag:s20], $0x4000  }
0x42: {  	[sflag:s20] =	ssyncset.done $0x0  }
0x43: {  	s1 =	rddreg [dreg:$0xe];
	[sflag:s20] =	ssyncadd.s32 $0xFFFFC000  }
0x44: {  	[hbm4b:s1+s2] =	stream.linear.scatter [tilespmem:s13], [sflag:$0xD], $0x4000, $0x38;
	[tilespmem:$0x18300] =	vst v63  }
0x45: {  	_ =	swait.ge [sflag:s18], $0x4000  }
0x46: {  	[sflag:s18] =	ssyncset.done $0x0  }
0x47: {  	s1 =	rddreg [dreg:$0xf];
	[sflag:s18] =	ssyncadd.s32 $0xFFFFC000  }
0x48: {  	[hbm4b:s1+s2] =	stream.linear.scatter [tilespmem:s10], [sflag:$0xE], $0x4000, $0x38;
	[tilespmem:$0x18300] =	vst v63  }
0x49: {  	_ =	swait.ge [sflag:s14], $0x4000  }
0x4a: {  	[sflag:s14] =	ssyncset.done $0x0  }
0x4b: {  	s1 =	rddreg [dreg:$0x10];
	[sflag:s14] =	ssyncadd.s32 $0xFFFFC000  }
0x4c: {  	[hbm4b:s1+s2] =	stream.linear.scatter [tilespmem:s8], [sflag:$0xF], $0x4000, $0x38;
	[tilespmem:$0x18300] =	vst v63  }
0x4d: {  	_ =	swait.ge [sflag:s15], $0x4000  }
0x4e: {  	[sflag:s15] =	ssyncset.done $0x0  }
0x4f: {  	[sflag:s15] =	ssyncadd.s32 $0xFFFFC000  }
0x50: {  	_ =	swait.ge [sflag:s12], $0x4000  }
0x51: {  	[sflag:s12] =	ssyncset.done $0x0  }
0x52: {  	[sflag:s12] =	ssyncadd.s32 $0xFFFFC000  }
0x53: {  	_ =	swait.ge [sflag:s11], $0x4000  }
0x54: {  	[sflag:s11] =	ssyncset.done $0x0  }
0x55: {  	[sflag:s11] =	ssyncadd.s32 $0xFFFFC000  }
0x56: {  	_ =	swait.ge [sflag:s9], $0x4000  }
0x57: {  	[sflag:s9] =	ssyncset.done $0x0  }
0x58: {  	p1 =	sne.s32 s29, $0x1;
	[sflag:s9] =	ssyncadd.s32 $0xFFFFC000  }
.Ltmp1:
0x59: {  	_ =	swait.ge [sflag:s7], $0x4000;
	(pc) =	sbr.rel @!p1 .LBB2_3-.Ltmp1, $4  }
0x5a: {  	[sflag:s7] =	ssyncset.done $0x0  }
0x5b: {  	[sflag:s7] =	ssyncadd.s32 $0xFFFFC000  }
0x5c: {  	p0 =	por $0x1, $0x1;
	_ =	swait.ge [sflag:s6], $0x4000  }
0x5d: {  	s1 =	sadd.s32 $0xFFFFFFFF, s29;
	s0 =	rddreg [dreg:$0x8];
	[sflag:s6] =	ssyncset.done $0x0  }
.LBB2_4:
0x5e: {  	[sflag:s6] =	ssyncadd.s32 $0xFFFFC000  }
0x5f: {  	[tilespmem:s2], [sflag:$0x1] =	stream.linear.gather [hbm4b:s0+s2], $0x100, $0x38;
	[tilespmem:$0x18300] =	vst v63  }
0x60: {  	s29 =	rddreg [dreg:$0x9]  }
0x61: {  	[tilespmem:s24], [sflag:$0x2] =	stream.linear.gather [hbm4b:s29+s2], $0x100, $0x38;
	[tilespmem:$0x18300] =	vst v63  }
0x62: {  	s0 =	rddreg [dreg:$0xa]  }
0x63: {  	[tilespmem:s21], [sflag:$0x3] =	stream.linear.gather [hbm4b:s0+s2], $0x100, $0x38;
	[tilespmem:$0x18300] =	vst v63  }
0x64: {  	_ =	swait.ge [sflag:s30], $0x100  }
0x65: {  	[sflag:s30] =	ssyncset.done $0x0  }
0x66: {  	[sflag:s30] =	ssyncadd.s32 $0xFFFFFF00  }
0x67: {  	[tilespmem:s19], [sflag:$0x4] =	stream.indirect.gather [hbm4b:s5+s22], $0x80, s2, s22, $0xb8;
	[tilespmem:$0x18300] =	vst v63  }
0x68: {  	_ = 	snop  }
0x69: {  	[tilespmem:s17], [sflag:$0x5] =	stream.indirect.gather [hbm4b:s5+s22], $0x80, s22, s22, $0xb8;
	[tilespmem:$0x18300] =	vst v63  }
0x6a: {  	_ =	swait.ge [sflag:s31], $0x100  }
0x6b: {  	[sflag:s31] =	ssyncset.done $0x0  }
0x6c: {  	[sflag:s31] =	ssyncadd.s32 $0xFFFFFF00  }
0x6d: {  	[tilespmem:s16], [sflag:$0x6] =	stream.indirect.gather [hbm4b:s4+s22], $0x80, s24, s22, $0xb8;
	[tilespmem:$0x18300] =	vst v63  }
0x6e: {  	s29 =	rddreg [dreg:$0x11]  }
0x6f: {  	[tilespmem:s13], [sflag:$0x7] =	stream.indirect.gather [hbm4b:s4+s22], $0x80, s29, s22, $0xb8;
	[tilespmem:$0x18300] =	vst v63  }
0x70: {  	_ =	swait.ge [sflag:s28], $0x100  }
0x71: {  	[sflag:s28] =	ssyncset.done $0x0  }
0x72: {  	[sflag:s28] =	ssyncadd.s32 $0xFFFFFF00  }
0x73: {  	[tilespmem:s10], [sflag:$0x8] =	stream.indirect.gather [hbm4b:s3+s22], $0x80, s21, s22, $0xb8;
	[tilespmem:$0x18300] =	vst v63  }
0x74: {  	s29 =	simm.s32 $0x280  }
0x75: {  	[tilespmem:s8], [sflag:$0x9] =	stream.indirect.gather [hbm4b:s3+s22], $0x80, s29, s22, $0xb8;
	[tilespmem:$0x18300] =	vst v63  }
0x76: {  	_ =	swait.ge [sflag:s26], $0x4000  }
0x77: {  	[sflag:s26] =	ssyncset.done $0x0  }
0x78: {  	s29 =	rddreg [dreg:$0xb];
	[sflag:s26] =	ssyncadd.s32 $0xFFFFC000  }
0x79: {  	[hbm4b:s29+s2] =	stream.linear.scatter [tilespmem:s19], [sflag:$0xA], $0x4000, $0x38;
	[tilespmem:$0x18300] =	vst v63  }
0x7a: {  	_ =	swait.ge [sflag:s25], $0x4000  }
0x7b: {  	[sflag:s25] =	ssyncset.done $0x0  }
0x7c: {  	s29 =	rddreg [dreg:$0xc];
	[sflag:s25] =	ssyncadd.s32 $0xFFFFC000  }
0x7d: {  	[hbm4b:s29+s2] =	stream.linear.scatter [tilespmem:s17], [sflag:$0xB], $0x4000, $0x38;
	[tilespmem:$0x18300] =	vst v63  }
0x7e: {  	_ =	swait.ge [sflag:s23], $0x4000  }
0x7f: {  	[sflag:s23] =	ssyncset.done $0x0  }
0x80: {  	s29 =	rddreg [dreg:$0xd];
	[sflag:s23] =	ssyncadd.s32 $0xFFFFC000  }
0x81: {  	[hbm4b:s29+s2] =	stream.linear.scatter [tilespmem:s16], [sflag:$0xC], $0x4000, $0x38;
	[tilespmem:$0x18300] =	vst v63  }
0x82: {  	_ =	swait.ge [sflag:s20], $0x4000  }
0x83: {  	[sflag:s20] =	ssyncset.done $0x0  }
0x84: {  	s29 =	rddreg [dreg:$0xe];
	[sflag:s20] =	ssyncadd.s32 $0xFFFFC000  }
0x85: {  	[hbm4b:s29+s2] =	stream.linear.scatter [tilespmem:s13], [sflag:$0xD], $0x4000, $0x38;
	[tilespmem:$0x18300] =	vst v63  }
0x86: {  	_ =	swait.ge [sflag:s18], $0x4000  }
0x87: {  	[sflag:s18] =	ssyncset.done $0x0  }
0x88: {  	s29 =	rddreg [dreg:$0xf];
	[sflag:s18] =	ssyncadd.s32 $0xFFFFC000  }
0x89: {  	[hbm4b:s29+s2] =	stream.linear.scatter [tilespmem:s10], [sflag:$0xE], $0x4000, $0x38;
	[tilespmem:$0x18300] =	vst v63  }
0x8a: {  	_ =	swait.ge [sflag:s14], $0x4000  }
0x8b: {  	[sflag:s14] =	ssyncset.done $0x0  }
0x8c: {  	s29 =	rddreg [dreg:$0x10];
	[sflag:s14] =	ssyncadd.s32 $0xFFFFC000  }
0x8d: {  	[hbm4b:s29+s2] =	stream.linear.scatter [tilespmem:s8], [sflag:$0xF], $0x4000, $0x38;
	[tilespmem:$0x18300] =	vst v63  }
0x8e: {  	_ =	swait.ge [sflag:s15], $0x4000  }
0x8f: {  	[sflag:s15] =	ssyncset.done $0x0  }
0x90: {  	[sflag:s15] =	ssyncadd.s32 $0xFFFFC000  }
0x91: {  	_ =	swait.ge [sflag:s12], $0x4000  }
0x92: {  	[sflag:s12] =	ssyncset.done $0x0  }
0x93: {  	[sflag:s12] =	ssyncadd.s32 $0xFFFFC000  }
0x94: {  	_ =	swait.ge [sflag:s11], $0x4000  }
0x95: {  	[sflag:s11] =	ssyncset.done $0x0  }
0x96: {  	[sflag:s11] =	ssyncadd.s32 $0xFFFFC000  }
0x97: {  	_ =	swait.ge [sflag:s9], $0x4000  }
0x98: {  	[sflag:s9] =	ssyncset.done $0x0  }
0x99: {  	p1 =	sne.s32 s1, $0x1;
	[sflag:s9] =	ssyncadd.s32 $0xFFFFC000  }
.Ltmp2:
0x9a: {  	_ =	swait.ge [sflag:s7], $0x4000;
	(pc) =	sbr.rel @p1 .LBB2_4-.Ltmp2, $4  }
0x9b: {  	[sflag:s7] =	ssyncset.done $0x0  }
0x9c: {  	[sflag:s7] =	ssyncadd.s32 $0xFFFFC000  }
0x9d: {  	_ =	swait.ge [sflag:s6], $0x4000  }
0x9e: {  	s1 =	sadd.s32 $0xFFFFFFFF, s1;
	s0 =	rddreg [dreg:$0x8];
	[sflag:s6] =	ssyncset.done $0x0  }
0x9f: {  	s29 =	simm.s32 $0x280  }
.LBB2_6:
0xa0: {  	[sflag:s6] =	ssyncadd.s32 @p0 $0xFFFFC000  }
0xa1: {  	[tilespmem:s2], [sflag:$0x1] =	stream.linear.gather [hbm4b:s0+s2], $0x100, $0x38;
	[tilespmem:$0x18300] =	vst v63  }
0xa2: {  	s1 =	rddreg [dreg:$0x9]  }
0xa3: {  	[tilespmem:s24], [sflag:$0x2] =	stream.linear.gather [hbm4b:s1+s2], $0x100, $0x38;
	[tilespmem:$0x18300] =	vst v63  }
0xa4: {  	s0 =	rddreg [dreg:$0xa]  }
0xa5: {  	[tilespmem:s21], [sflag:$0x3] =	stream.linear.gather [hbm4b:s0+s2], $0x100, $0x38;
	[tilespmem:$0x18300] =	vst v63  }
0xa6: {  	_ =	swait.ge [sflag:s30], $0x100  }
0xa7: {  	[sflag:s30] =	ssyncset.done $0x0  }
0xa8: {  	[sflag:s30] =	ssyncadd.s32 $0xFFFFFF00  }
0xa9: {  	[tilespmem:s19], [sflag:$0x4] =	stream.indirect.gather [hbm4b:s5+s22], $0x80, s2, s22, $0xb8;
	[tilespmem:$0x18300] =	vst v63  }
0xaa: {  	_ = 	snop  }
0xab: {  	[tilespmem:s17], [sflag:$0x5] =	stream.indirect.gather [hbm4b:s5+s22], $0x80, s22, s22, $0xb8;
	[tilespmem:$0x18300] =	vst v63  }
0xac: {  	_ =	swait.ge [sflag:s31], $0x100  }
0xad: {  	[sflag:s31] =	ssyncset.done $0x0  }
0xae: {  	[sflag:s31] =	ssyncadd.s32 $0xFFFFFF00  }
0xaf: {  	[tilespmem:s16], [sflag:$0x6] =	stream.indirect.gather [hbm4b:s4+s22], $0x80, s24, s22, $0xb8;
	[tilespmem:$0x18300] =	vst v63  }
0xb0: {  	s5 =	rddreg [dreg:$0x11]  }
0xb1: {  	[tilespmem:s13], [sflag:$0x7] =	stream.indirect.gather [hbm4b:s4+s22], $0x80, s5, s22, $0xb8;
	[tilespmem:$0x18300] =	vst v63  }
0xb2: {  	_ =	swait.ge [sflag:s28], $0x100  }
0xb3: {  	[sflag:s28] =	ssyncset.done $0x0  }
0xb4: {  	[sflag:s28] =	ssyncadd.s32 $0xFFFFFF00  }
0xb5: {  	[tilespmem:s10], [sflag:$0x8] =	stream.indirect.gather [hbm4b:s3+s22], $0x80, s21, s22, $0xb8;
	[tilespmem:$0x18300] =	vst v63  }
0xb6: {  	_ = 	snop  }
0xb7: {  	[tilespmem:s8], [sflag:$0x9] =	stream.indirect.gather [hbm4b:s3+s22], $0x80, s29, s22, $0xb8;
	[tilespmem:$0x18300] =	vst v63  }
0xb8: {  	_ =	swait.ge [sflag:s26], $0x4000  }
0xb9: {  	[sflag:s26] =	ssyncset.done $0x0  }
0xba: {  	s22 =	rddreg [dreg:$0xb];
	[sflag:s26] =	ssyncadd.s32 $0xFFFFC000  }
0xbb: {  	[hbm4b:s22+s2] =	stream.linear.scatter [tilespmem:s19], [sflag:$0xA], $0x4000, $0x38;
	[tilespmem:$0x18300] =	vst v63  }
0xbc: {  	_ =	swait.ge [sflag:s25], $0x4000  }
0xbd: {  	[sflag:s25] =	ssyncset.done $0x0  }
0xbe: {  	s24 =	rddreg [dreg:$0xc];
	[sflag:s25] =	ssyncadd.s32 $0xFFFFC000  }
0xbf: {  	[hbm4b:s24+s2] =	stream.linear.scatter [tilespmem:s17], [sflag:$0xB], $0x4000, $0x38;
	[tilespmem:$0x18300] =	vst v63  }
0xc0: {  	_ =	swait.ge [sflag:s23], $0x4000  }
0xc1: {  	[sflag:s23] =	ssyncset.done $0x0  }
0xc2: {  	s26 =	rddreg [dreg:$0xd];
	[sflag:s23] =	ssyncadd.s32 $0xFFFFC000  }
0xc3: {  	[hbm4b:s26+s2] =	stream.linear.scatter [tilespmem:s16], [sflag:$0xC], $0x4000, $0x38;
	[tilespmem:$0x18300] =	vst v63  }
0xc4: {  	_ =	swait.ge [sflag:s20], $0x4000  }
0xc5: {  	[sflag:s20] =	ssyncset.done $0x0  }
0xc6: {  	s28 =	rddreg [dreg:$0xe];
	[sflag:s20] =	ssyncadd.s32 $0xFFFFC000  }
0xc7: {  	[hbm4b:s28+s2] =	stream.linear.scatter [tilespmem:s13], [sflag:$0xD], $0x4000, $0x38;
	[tilespmem:$0x18300] =	vst v63  }
0xc8: {  	_ =	swait.ge [sflag:s18], $0x4000  }
0xc9: {  	[sflag:s18] =	ssyncset.done $0x0  }
0xca: {  	s29 =	rddreg [dreg:$0xf];
	[sflag:s18] =	ssyncadd.s32 $0xFFFFC000  }
0xcb: {  	[hbm4b:s29+s2] =	stream.linear.scatter [tilespmem:s10], [sflag:$0xE], $0x4000, $0x38;
	[tilespmem:$0x18300] =	vst v63  }
0xcc: {  	_ =	swait.ge [sflag:s14], $0x4000  }
0xcd: {  	[sflag:s14] =	ssyncset.done $0x0  }
0xce: {  	s30 =	rddreg [dreg:$0x10];
	[sflag:s14] =	ssyncadd.s32 $0xFFFFC000  }
0xcf: {  	[hbm4b:s30+s2] =	stream.linear.scatter [tilespmem:s8], [sflag:$0xF], $0x4000, $0x38;
	[tilespmem:$0x18300] =	vst v63  }
0xd0: {  	_ =	swait.ge [sflag:s15], $0x4000  }
0xd1: {  	[sflag:s15] =	ssyncset.done $0x0  }
0xd2: {  	[sflag:s15] =	ssyncadd.s32 $0xFFFFC000  }
0xd3: {  	_ =	swait.ge [sflag:s12], $0x4000  }
0xd4: {  	[sflag:s12] =	ssyncset.done $0x0  }
0xd5: {  	[sflag:s12] =	ssyncadd.s32 $0xFFFFC000  }
0xd6: {  	_ =	swait.ge [sflag:s11], $0x4000  }
0xd7: {  	[sflag:s11] =	ssyncset.done $0x0  }
0xd8: {  	[sflag:s11] =	ssyncadd.s32 $0xFFFFC000  }
0xd9: {  	_ =	swait.ge [sflag:s9], $0x4000  }
0xda: {  	[sflag:s9] =	ssyncset.done $0x0  }
0xdb: {  	[sflag:s9] =	ssyncadd.s32 $0xFFFFC000  }
0xdc: {  	_ =	swait.ge [sflag:s7], $0x4000  }
0xdd: {  	[sflag:s7] =	ssyncset.done $0x0  }
0xde: {  	[sflag:s7] =	ssyncadd.s32 $0xFFFFC000  }
0xdf: {  	_ =	swait.ge [sflag:s6], $0x4000  }
0xe0: {  	[sflag:s6] =	ssyncset.done $0x0  }
0xe1: {  	[sflag:s6] =	ssyncadd.s32 $0xFFFFC000  }
0xe2: {  	_ =	sfence.sel $0x180000  }
0xe3: {  	[bflag:$0x0] =	sbarrier.arrive $0xFFFF  }
0xe4: {  	_ =	strace $0x90000047  }
0xe5: {  	s31 =	stileid.u32;
	[bflag:$0x2] =	sbarrier.arrive $0xFFFF  }
0xe6: {  	p0 =	sne.s32 s31, $0x0;
	s0 =	rddreg [dreg:$0x7]  }
0xe7: {  	s0 =	sadd.s32 @!p0 $0x100000, s0  }
0xe8: {  	[sflag:s0] =	ssyncadd.tile.s32 @!p0 $0x1;
	_ =	shalt  }
.LBB2_1:
.Ltmp3:
0xe9: {  	(pc) =	sbr.rel .LBB2_6-.Ltmp3, $2  }
0xea: {  	_ =	sdelay $0x2  }
0xeb: {  	s29 =	simm.s32 $0x280  }
.LBB2_3:
.Ltmp4:
0xec: {  	(pc) =	sbr.rel .LBB2_6-.Ltmp4, $2  }
0xed: {  	_ =	sdelay $0x2  }
0xee: {  	s29 =	simm.s32 $0x280  }
.Lfunc_end2:
_tile_overlayer_lowered:
.L_overlay_start_2:
0xef: {  	(tag) =	ssettag $0x2  }
0xf0: {  	s0 =	rddreg [dreg:$0x0];
	s2 =	stileid.u32  }
0xf1: {  	s1 =	rddreg [dreg:$0x1];
	p0 =	sne.s32 s2, $0x0  }
0xf2: {  	s3 =	rddreg [dreg:$0x2];
	[bflag:$0x3] =	sbarrier.arrive $0xFFFF;
	s2 =	simm.s32 @!p0 $0x1C10  }
0xf3: {  	[timem:s3], [sflag:s2] =	dma.local @!p0 [hbm:s0], s1  }
0xf4: {  	s0 =	simm.s32 @!p0 $0x10  }
0xf5: {  	_ =	swait.ge @!p0 [sflag:s0], s1  }
0xf6: {  	s1 =	ssub.s32 @!p0 $0x0, s1;
	[sflag:s0] =	ssyncset.done @!p0 $0x0  }
0xf7: {  	[sflag:s0] =	ssyncadd.s32 @!p0 s1  }
0xf8: {  	[bflag:$0x3] =	sbarrier.arrive $0xFFFF  }
0xf9: {  	_ =	shalt  }

</sc_bundles>
